<compile_context>
chip_gen: v7x
topology: tpu7x:2x2x1
jax: 0.10.2.dev20260603
libtpu: 0.0.44.dev20260713+nightly
codegen_flags: <defaults>
</compile_context>

<pallas_src>
import dataclasses
import functools

import jax
import jax.numpy as jnp
from jax import lax
from jax.experimental import pallas as pl
from jax.experimental.pallas import tpu as pltpu
from jax.experimental.pallas import tpu_sc as plsc

NC = 2
NS = 16
NW = NC * NS
CHUNK = 128
NBUF = 2


def _sc_compiler_params():
    cp = pltpu.CompilerParams()
    if "needs_layout_passes" in pltpu.CompilerParams.__dataclass_fields__:
        cp = dataclasses.replace(cp, needs_layout_passes=False)
    return cp


def _spmm_sc(h, src_p, dst_p, zeros, npad, nchunks, with_deg):
    d = h.shape[1]
    ept = nchunks * CHUNK
    rpt = npad // NS
    mesh = plsc.VectorSubcoreMesh(core_axis_name="c", subcore_axis_name="s")
    out_type = [jax.ShapeDtypeStruct((NC, npad, d), jnp.float32)]
    scratch = [
        pltpu.VMEM((CHUNK,), jnp.int32),
        pltpu.VMEM((CHUNK,), jnp.int32),
        pltpu.VMEM((CHUNK,), jnp.int32),
        pltpu.VMEM((CHUNK,), jnp.int32),
        pltpu.VMEM((CHUNK, d), jnp.float32),
        pltpu.VMEM((CHUNK, d), jnp.float32),
        pltpu.SemaphoreType.DMA,
        pltpu.SemaphoreType.DMA,
        pltpu.SemaphoreType.DMA,
        pltpu.VMEM_SHARED((npad, d), jnp.float32),
    ]
    if with_deg:
        out_type.append(jax.ShapeDtypeStruct((NW, npad), jnp.float32))
        scratch.append(pltpu.VMEM((npad,), jnp.float32))

    kw = dict(out_type=out_type, mesh=mesh, scratch_types=scratch)
    if with_deg:
        kw["compiler_params"] = _sc_compiler_params()

    @functools.partial(pl.kernel, **kw)
    def k(h_hbm, src_hbm, dst_hbm, z_hbm, out_hbm, *rest):
        if with_deg:
            deg_hbm, sidx0, didx0, sidx1, didx1, rows0, rows1, sa, sg, ss, acc, hist = rest
        else:
            sidx0, didx0, sidx1, didx1, rows0, rows1, sa, sg, ss, acc = rest
            deg_hbm = hist = None
        c = lax.axis_index("c")
        s = lax.axis_index("s")
        wid = c * NS + s
        pltpu.sync_copy(z_hbm.at[pl.ds(s * rpt, rpt)], acc.at[pl.ds(s * rpt, rpt)])
        if with_deg:
            zero_v = jnp.zeros((16,), jnp.float32)

            @pl.loop(0, npad, step=16)
            def _(i):
                hist[pl.ds(i, 16)] = zero_v

        plsc.subcore_barrier()
        base = pl.multiple_of(wid * ept, 8)
        bufs = ((sidx0, didx0, rows0), (sidx1, didx1, rows1))
        ones_v = jnp.ones((16,), jnp.float32)

        @pl.loop(0, nchunks, step=2)
        def _(j):
            ia = []
            for b, (si, di, ro) in enumerate(bufs):
                off = pl.multiple_of(base + (j + b) * CHUNK, 8)
                ia.append(pltpu.async_copy(src_hbm.at[pl.ds(off, CHUNK)], si, sa))
                ia.append(pltpu.async_copy(dst_hbm.at[pl.ds(off, CHUNK)], di, sa))
            for d_ in ia:
                d_.wait()
            g = [pltpu.async_copy(h_hbm.at[si], ro, sg)
                 for (si, di, ro) in bufs]
            sc = []
            for b, (si, di, ro) in enumerate(bufs):
                g[b].wait()
                sc.append(pltpu.async_copy(ro, acc.at[di], ss, add=True))
                if with_deg:
                    @pl.loop(0, CHUNK, step=16)
                    def _(k16, di=di):
                        plsc.addupdate_scatter(hist, [di[pl.ds(k16, 16)]], ones_v)
            for d_ in sc:
                d_.wait()

        plsc.subcore_barrier()
        pltpu.sync_copy(acc.at[pl.ds(s * rpt, rpt)],
                        out_hbm.at[c].at[pl.ds(s * rpt, rpt)])
        if with_deg:
            pltpu.sync_copy(hist, deg_hbm.at[wid])

    return k(h, src_p, dst_p, zeros)


def _deg_sc(dst_p, npad, nchunks):
    ept = nchunks * CHUNK
    mesh = plsc.VectorSubcoreMesh(core_axis_name="c", subcore_axis_name="s")

    @functools.partial(
        pl.kernel,
        out_type=jax.ShapeDtypeStruct((NW, npad), jnp.float32),
        mesh=mesh,
        scratch_types=[
            pltpu.VMEM((CHUNK,), jnp.int32),
            pltpu.VMEM((npad,), jnp.float32),
        ],
        compiler_params=_sc_compiler_params(),
    )
    def k(dst_hbm, out_hbm, didx, hist):
        c = lax.axis_index("c")
        s = lax.axis_index("s")
        wid = c * NS + s
        zero_v = jnp.zeros((16,), jnp.float32)
        ones_v = jnp.ones((16,), jnp.float32)

        @pl.loop(0, npad, step=16)
        def _(i):
            hist[pl.ds(i, 16)] = zero_v

        base = pl.multiple_of(wid * ept, 8)

        @pl.loop(0, nchunks)
        def _(j):
            off = pl.multiple_of(base + j * CHUNK, 8)
            pltpu.sync_copy(dst_hbm.at[pl.ds(off, CHUNK)], didx)

            @pl.loop(0, CHUNK, step=16)
            def _(k16):
                idx = didx[pl.ds(k16, 16)]
                plsc.addupdate_scatter(hist, [idx], ones_v)

        pltpu.sync_copy(hist, out_hbm.at[wid])

    return k(dst_p)


def _dense_tc(s_parts, deg_parts, h, w_n, b_n, w_s, b_s, relu, npad):
    d = h.shape[1]

    def body(s_ref, deg_ref, h_ref, wn_ref, bn_ref, ws_ref, bs_ref, o_ref):
        cnt = jnp.sum(deg_ref[...], axis=0)
        cnt = jnp.maximum(cnt, 1.0).reshape(npad, 1)
        agg = (s_ref[0] + s_ref[1]) / cnt
        y = jnp.dot(agg, wn_ref[...], preferred_element_type=jnp.float32)
        y = y + jnp.dot(h_ref[...], ws_ref[...], preferred_element_type=jnp.float32)
        y = y + bn_ref[...] + bs_ref[...]
        if relu:
            y = jnp.maximum(y, 0.0)
        o_ref[...] = y

    return pl.pallas_call(
        body,
        out_shape=jax.ShapeDtypeStruct((npad, d), jnp.float32),
    )(s_parts, deg_parts, h, w_n, b_n, w_s, b_s)


def kernel(x, edge_index, W_neigh1, b_neigh1, W_self1, b_self1,
           W_neigh2, b_neigh2, W_self2, b_self2):
    n, d = x.shape
    e = edge_index.shape[1]
    npad = ((n + NS * 8 - 1) // (NS * 8)) * (NS * 8)
    per_round = NW * CHUNK * 2
    epad = ((e + per_round - 1) // per_round) * per_round
    nchunks = epad // (NW * CHUNK)

    src = edge_index[0]
    dst = edge_index[1]
    pad = epad - e
    spare = max(npad - n, 1)
    ar = jnp.arange(pad, dtype=jnp.int32)
    pad_dst = jnp.minimum(n + ar % spare, npad - 1).astype(jnp.int32)
    pad_src = (ar * 97) % n
    src_p = jnp.concatenate([src, pad_src])
    dst_p = jnp.concatenate([dst, pad_dst])
    x_p = jnp.concatenate([x, jnp.zeros((npad - n, d), jnp.float32)])
    zeros = jnp.zeros((npad, d), jnp.float32)
    bn1 = b_neigh1.reshape(1, d)
    bs1 = b_self1.reshape(1, d)
    bn2 = b_neigh2.reshape(1, d)
    bs2 = b_self2.reshape(1, d)

    s1, deg_parts = _spmm_sc(x, src_p, dst_p, zeros, npad, nchunks, True)
    h1 = _dense_tc(s1, deg_parts, x_p, W_neigh1, bn1, W_self1, bs1, True, npad)
    (s2,) = _spmm_sc(h1, src_p, dst_p, zeros, npad, nchunks, False)
    h2 = _dense_tc(s2, deg_parts, h1, W_neigh2, bn2, W_self2, bs2, False, npad)
    return h2[:n]

# --- scband reference (transcript-rebuilt; emitter-appended) ---
"""Pipeline reference for scband-cagnet-sage-8452495639005 (READ-ONLY COPY).

The authoritative reference and input builder live on the scoring server;
editing this copy changes nothing except your own understanding.
"""

import jax, jax.numpy as jnp
import numpy as np

N = 10000
E = 320000
D_IN = 128
D_HID = 128
D_OUT = 128


def setup_inputs(seed: int = 0) -> dict:
    key = jax.random.key(seed)
    ks = jax.random.split(key, 12)
    x = jax.random.normal(ks[0], (N, D_IN), dtype=jnp.float32)
    edge_index = jax.random.randint(ks[1], (2, E), 0, N, dtype=jnp.int32)
    s_in = 1.0 / np.sqrt(D_IN)
    s_hid = 1.0 / np.sqrt(D_HID)
    W_neigh1 = jax.random.uniform(ks[2], (D_IN, D_HID), jnp.float32, -s_in, s_in)
    b_neigh1 = jax.random.uniform(ks[3], (D_HID,), jnp.float32, -s_in, s_in)
    W_self1 = jax.random.uniform(ks[4], (D_IN, D_HID), jnp.float32, -s_in, s_in)
    b_self1 = jax.random.uniform(ks[5], (D_HID,), jnp.float32, -s_in, s_in)
    W_neigh2 = jax.random.uniform(ks[6], (D_HID, D_OUT), jnp.float32, -s_hid, s_hid)
    b_neigh2 = jax.random.uniform(ks[7], (D_OUT,), jnp.float32, -s_hid, s_hid)
    W_self2 = jax.random.uniform(ks[8], (D_HID, D_OUT), jnp.float32, -s_hid, s_hid)
    b_self2 = jax.random.uniform(ks[9], (D_OUT,), jnp.float32, -s_hid, s_hid)
    return {
        "x": x,
        "edge_index": edge_index,
        "W_neigh1": W_neigh1, "b_neigh1": b_neigh1,
        "W_self1": W_self1, "b_self1": b_self1,
        "W_neigh2": W_neigh2, "b_neigh2": b_neigh2,
        "W_self2": W_self2, "b_self2": b_self2,
    }


def _row_norm_spmm(h, src, dst, n):
    # A = D^{-1} A_adj with row = dst, col = src; val = 1/deg(dst)
    deg = jnp.clip(jnp.bincount(dst, length=n), 1, None).astype(h.dtype)
    val = 1.0 / deg[dst]
    msgs = h[src] * val[:, None]
    return jax.ops.segment_sum(msgs, dst, num_segments=n)


def reference(x, edge_index, W_neigh1, b_neigh1, W_self1, b_self1,
              W_neigh2, b_neigh2, W_self2, b_self2):
    n = x.shape[0]
    src = edge_index[0]
    dst = edge_index[1]
    agg1 = _row_norm_spmm(x, src, dst, n)
    h1 = (agg1 @ W_neigh1 + b_neigh1) + (x @ W_self1 + b_self1)
    h1 = jax.nn.relu(h1)
    # dropout p=0.0 -> identity
    agg2 = _row_norm_spmm(h1, src, dst, n)
    h2 = (agg2 @ W_neigh2 + b_neigh2) + (h1 @ W_self2 + b_self2)
    return h2

if __name__ == "__main__":
    import jax
    _d = setup_inputs()
    print(jax.jit(kernel)(*tuple(_d.values())))

</pallas_src>

<mosaic_0001>
#map = affine_map<(d0, d1) -> (0, 0)>
#map1 = affine_map<(d0, d1) -> (0)>
#map2 = affine_map<(d0, d1) -> (0, 0, 0)>
module attributes {stable_mosaic.version = 14 : i64} {
  func.func @k(%arg0: i32, %arg1: i32, %arg2: memref<10112x128xf32, #tpu.memory_space<hbm>>, %arg3: memref<327680xi32, #tpu.memory_space<hbm>>, %arg4: memref<327680xi32, #tpu.memory_space<hbm>>, %arg5: memref<10112x128xf32, #tpu.memory_space<hbm>>, %arg6: memref<2x10112x128xf32, #tpu.memory_space<hbm>>, %arg7: memref<128xi32, #tpu.memory_space<vmem>>, %arg8: memref<128xi32, #tpu.memory_space<vmem>>, %arg9: memref<128xi32, #tpu.memory_space<vmem>>, %arg10: memref<128xi32, #tpu.memory_space<vmem>>, %arg11: memref<128x128xf32, #tpu.memory_space<vmem>>, %arg12: memref<128x128xf32, #tpu.memory_space<vmem>>, %arg13: memref<!tpu.dma_semaphore, #tpu.memory_space<semaphore_mem>>, %arg14: memref<!tpu.dma_semaphore, #tpu.memory_space<semaphore_mem>>, %arg15: memref<!tpu.dma_semaphore, #tpu.memory_space<semaphore_mem>>, %arg16: memref<10112x128xf32, #tpu.memory_space<vmem_shared>>) attributes {dimension_semantics = [#tpu.dimension_semantics<core_parallel>, #tpu.dimension_semantics<subcore_parallel>], iteration_bounds = array<i64: 2, 16>, scalar_prefetch = 0 : i64, scratch_operands = 10 : i64, tpu.core_type = #tpu.core_type<sc_vector_subcore>, window_params = [{transform_indices = #map}, {transform_indices = #map1}, {transform_indices = #map1}, {transform_indices = #map}, {transform_indices = #map2}]} {
    %mul3A = arith.constant 16 : i32
    %mul3A_0 = arith.muli %arg0, %mul3A : i32
    %add3A = arith.addi %mul3A_0, %arg1 : i32
    %mul3A_1 = arith.constant 632 : i32
    %mul3A_2 = arith.muli %arg1, %mul3A_1 : i32
    %mul3A_3 = arith.constant 632 : i32
    %mul3A_4 = arith.muli %arg1, %mul3A_3 : i32
    "tpu.region"() ({
      %run_scoped3A = tpu.sem_alloc : memref<!tpu.dma_semaphore, #tpu.memory_space<semaphore_mem>>
      %dma_start3A = arith.constant 0 : i32
      %dma_start3A_17 = tpu.memref_slice %arg16[%mul3A_4, %dma_start3A] : memref<10112x128xf32, #tpu.memory_space<vmem_shared>> -> memref<632x128xf32, #tpu.memory_space<vmem_shared>>
      %dma_start3A_18 = arith.constant 0 : i32
      %dma_start3A_19 = tpu.memref_slice %arg5[%mul3A_2, %dma_start3A_18] : memref<10112x128xf32, #tpu.memory_space<hbm>> -> memref<632x128xf32, #tpu.memory_space<hbm>>
      tpu.enqueue_dma source(%dma_start3A_19 : memref<632x128xf32, #tpu.memory_space<hbm>>) target(%dma_start3A_17 : memref<632x128xf32, #tpu.memory_space<vmem_shared>>) target_semaphore(%run_scoped3A : memref<!tpu.dma_semaphore, #tpu.memory_space<semaphore_mem>>)
      %dma_wait3A = arith.constant 0 : i32
      %dma_wait3A_20 = tpu.memref_slice %arg16[%mul3A_4, %dma_wait3A] : memref<10112x128xf32, #tpu.memory_space<vmem_shared>> -> memref<632x128xf32, #tpu.memory_space<vmem_shared>>
      %dma_wait3A_21 = arith.constant 0 : i32
      %dma_wait3A_22 = tpu.memref_slice %arg5[%mul3A_2, %dma_wait3A_21] : memref<10112x128xf32, #tpu.memory_space<hbm>> -> memref<632x128xf32, #tpu.memory_space<hbm>>
      tpu.wait_dma2 semaphore(%run_scoped3A : memref<!tpu.dma_semaphore, #tpu.memory_space<semaphore_mem>>) src(%dma_wait3A_22 : memref<632x128xf32, #tpu.memory_space<hbm>>) dst(%dma_wait3A_20 : memref<632x128xf32, #tpu.memory_space<vmem_shared>>)
      tpu.yield
    }) : () -> ()
    %barrier3A = arith.constant 0 : index
    tpu.barrier barrier_id(%barrier3A)
    %mul3A_5 = arith.constant 10240 : i32
    %mul3A_6 = arith.muli %add3A, %mul3A_5 : i32
    %multiple_of3A = tpu.assume_multiple %mul3A_6, 8 : i32
    %broadcast_in_dim3A = arith.constant 1.000000e+00 : f32
    %broadcast_in_dim3A_7 = vector.broadcast %broadcast_in_dim3A : f32 to vector<16xf32>
    %scan3A = arith.constant 0 : i32
    %scan3A_8 = arith.constant 40 : i32
    %scan3A_9 = arith.addi %scan3A, %scan3A_8 : i32
    %scan3A_10 = arith.constant 1 : i32
    scf.for %scan3A_17 = %scan3A to %scan3A_9 step %scan3A_10  : i32 {
      %mul3A_18 = arith.constant 2 : i32
      %mul3A_19 = arith.muli %scan3A_17, %mul3A_18 : i32
      %add3A_20 = arith.constant 0 : i32
      %add3A_21 = arith.addi %add3A_20, %mul3A_19 : i32
      %add3A_22 = arith.constant 0 : i32
      %add3A_23 = arith.addi %add3A_21, %add3A_22 : i32
      %mul3A_24 = arith.constant 128 : i32
      %mul3A_25 = arith.muli %add3A_23, %mul3A_24 : i32
      %add3A_26 = arith.addi %multiple_of3A, %mul3A_25 : i32
      %multiple_of3A_27 = tpu.assume_multiple %add3A_26, 8 : i32
      %dma_start3A = tpu.memref_slice %arg3[%multiple_of3A_27] : memref<327680xi32, #tpu.memory_space<hbm>> -> memref<128xi32, #tpu.memory_space<hbm>>
      %dma_start3A_28 = tpu.memref_slice %arg3[%multiple_of3A_27] : memref<327680xi32, #tpu.memory_space<hbm>> -> memref<128xi32, #tpu.memory_space<hbm>>
      tpu.enqueue_dma source(%dma_start3A_28 : memref<128xi32, #tpu.memory_space<hbm>>) target(%arg7 : memref<128xi32, #tpu.memory_space<vmem>>) target_semaphore(%arg13 : memref<!tpu.dma_semaphore, #tpu.memory_space<semaphore_mem>>)
      %dma_start3A_29 = tpu.memref_slice %arg4[%multiple_of3A_27] : memref<327680xi32, #tpu.memory_space<hbm>> -> memref<128xi32, #tpu.memory_space<hbm>>
      %dma_start3A_30 = tpu.memref_slice %arg4[%multiple_of3A_27] : memref<327680xi32, #tpu.memory_space<hbm>> -> memref<128xi32, #tpu.memory_space<hbm>>
      tpu.enqueue_dma source(%dma_start3A_30 : memref<128xi32, #tpu.memory_space<hbm>>) target(%arg8 : memref<128xi32, #tpu.memory_space<vmem>>) target_semaphore(%arg13 : memref<!tpu.dma_semaphore, #tpu.memory_space<semaphore_mem>>)
      %add3A_31 = arith.constant 1 : i32
      %add3A_32 = arith.addi %add3A_21, %add3A_31 : i32
      %mul3A_33 = arith.constant 128 : i32
      %mul3A_34 = arith.muli %add3A_32, %mul3A_33 : i32
      %add3A_35 = arith.addi %multiple_of3A, %mul3A_34 : i32
      %multiple_of3A_36 = tpu.assume_multiple %add3A_35, 8 : i32
      %dma_start3A_37 = tpu.memref_slice %arg3[%multiple_of3A_36] : memref<327680xi32, #tpu.memory_space<hbm>> -> memref<128xi32, #tpu.memory_space<hbm>>
      %dma_start3A_38 = tpu.memref_slice %arg3[%multiple_of3A_36] : memref<327680xi32, #tpu.memory_space<hbm>> -> memref<128xi32, #tpu.memory_space<hbm>>
      tpu.enqueue_dma source(%dma_start3A_38 : memref<128xi32, #tpu.memory_space<hbm>>) target(%arg9 : memref<128xi32, #tpu.memory_space<vmem>>) target_semaphore(%arg13 : memref<!tpu.dma_semaphore, #tpu.memory_space<semaphore_mem>>)
      %dma_start3A_39 = tpu.memref_slice %arg4[%multiple_of3A_36] : memref<327680xi32, #tpu.memory_space<hbm>> -> memref<128xi32, #tpu.memory_space<hbm>>
      %dma_start3A_40 = tpu.memref_slice %arg4[%multiple_of3A_36] : memref<327680xi32, #tpu.memory_space<hbm>> -> memref<128xi32, #tpu.memory_space<hbm>>
      tpu.enqueue_dma source(%dma_start3A_40 : memref<128xi32, #tpu.memory_space<hbm>>) target(%arg10 : memref<128xi32, #tpu.memory_space<vmem>>) target_semaphore(%arg13 : memref<!tpu.dma_semaphore, #tpu.memory_space<semaphore_mem>>)
      %dma_wait3A = tpu.memref_slice %arg3[%multiple_of3A_27] : memref<327680xi32, #tpu.memory_space<hbm>> -> memref<128xi32, #tpu.memory_space<hbm>>
      %dma_wait3A_41 = tpu.memref_slice %arg3[%multiple_of3A_27] : memref<327680xi32, #tpu.memory_space<hbm>> -> memref<128xi32, #tpu.memory_space<hbm>>
      tpu.wait_dma2 semaphore(%arg13 : memref<!tpu.dma_semaphore, #tpu.memory_space<semaphore_mem>>) src(%dma_wait3A_41 : memref<128xi32, #tpu.memory_space<hbm>>) dst(%arg7 : memref<128xi32, #tpu.memory_space<vmem>>)
      %dma_wait3A_42 = tpu.memref_slice %arg4[%multiple_of3A_27] : memref<327680xi32, #tpu.memory_space<hbm>> -> memref<128xi32, #tpu.memory_space<hbm>>
      %dma_wait3A_43 = tpu.memref_slice %arg4[%multiple_of3A_27] : memref<327680xi32, #tpu.memory_space<hbm>> -> memref<128xi32, #tpu.memory_space<hbm>>
      tpu.wait_dma2 semaphore(%arg13 : memref<!tpu.dma_semaphore, #tpu.memory_space<semaphore_mem>>) src(%dma_wait3A_43 : memref<128xi32, #tpu.memory_space<hbm>>) dst(%arg8 : memref<128xi32, #tpu.memory_space<vmem>>)
      %dma_wait3A_44 = tpu.memref_slice %arg3[%multiple_of3A_36] : memref<327680xi32, #tpu.memory_space<hbm>> -> memref<128xi32, #tpu.memory_space<hbm>>
      %dma_wait3A_45 = tpu.memref_slice %arg3[%multiple_of3A_36] : memref<327680xi32, #tpu.memory_space<hbm>> -> memref<128xi32, #tpu.memory_space<hbm>>
      tpu.wait_dma2 semaphore(%arg13 : memref<!tpu.dma_semaphore, #tpu.memory_space<semaphore_mem>>) src(%dma_wait3A_45 : memref<128xi32, #tpu.memory_space<hbm>>) dst(%arg9 : memref<128xi32, #tpu.memory_space<vmem>>)
      %dma_wait3A_46 = tpu.memref_slice %arg4[%multiple_of3A_36] : memref<327680xi32, #tpu.memory_space<hbm>> -> memref<128xi32, #tpu.memory_space<hbm>>
      %dma_wait3A_47 = tpu.memref_slice %arg4[%multiple_of3A_36] : memref<327680xi32, #tpu.memory_space<hbm>> -> memref<128xi32, #tpu.memory_space<hbm>>
      tpu.wait_dma2 semaphore(%arg13 : memref<!tpu.dma_semaphore, #tpu.memory_space<semaphore_mem>>) src(%dma_wait3A_47 : memref<128xi32, #tpu.memory_space<hbm>>) dst(%arg10 : memref<128xi32, #tpu.memory_space<vmem>>)
      %dma_start3A_48 = arith.constant 0 : i32
      %dma_start3A_49 = arith.constant 0 : i32
      %dma_start3A_50 = tpu.memref_slice %arg2[%dma_start3A_48, %dma_start3A_49] : memref<10112x128xf32, #tpu.memory_space<hbm>> -> memref<10112x128xf32, #tpu.memory_space<hbm>>
      tpu.enqueue_indirect_dma source(%dma_start3A_50 : memref<10112x128xf32, #tpu.memory_space<hbm>>) target(%arg11 : memref<128x128xf32, #tpu.memory_space<vmem>>) offsets(%arg7 : memref<128xi32, #tpu.memory_space<vmem>>) semaphore(%arg14 : memref<!tpu.dma_semaphore, #tpu.memory_space<semaphore_mem>>)
      %dma_start3A_51 = arith.constant 0 : i32
      %dma_start3A_52 = arith.constant 0 : i32
      %dma_start3A_53 = tpu.memref_slice %arg2[%dma_start3A_51, %dma_start3A_52] : memref<10112x128xf32, #tpu.memory_space<hbm>> -> memref<10112x128xf32, #tpu.memory_space<hbm>>
      tpu.enqueue_indirect_dma source(%dma_start3A_53 : memref<10112x128xf32, #tpu.memory_space<hbm>>) target(%arg12 : memref<128x128xf32, #tpu.memory_space<vmem>>) offsets(%arg9 : memref<128xi32, #tpu.memory_space<vmem>>) semaphore(%arg14 : memref<!tpu.dma_semaphore, #tpu.memory_space<semaphore_mem>>)
      %dma_wait3A_54 = arith.constant 0 : i32
      %dma_wait3A_55 = arith.constant 0 : i32
      %dma_wait3A_56 = tpu.memref_slice %arg2[%dma_wait3A_54, %dma_wait3A_55] : memref<10112x128xf32, #tpu.memory_space<hbm>> -> memref<10112x128xf32, #tpu.memory_space<hbm>>
      tpu.wait_indirect_dma semaphore(%arg14 : memref<!tpu.dma_semaphore, #tpu.memory_space<semaphore_mem>>) src(%dma_wait3A_56 : memref<10112x128xf32, #tpu.memory_space<hbm>>) dst(%arg11 : memref<128x128xf32, #tpu.memory_space<vmem>>)
      %dma_start3A_57 = arith.constant 0 : i32
      %dma_start3A_58 = arith.constant 0 : i32
      %dma_start3A_59 = tpu.memref_slice %arg16[%dma_start3A_57, %dma_start3A_58] : memref<10112x128xf32, #tpu.memory_space<vmem_shared>> -> memref<10112x128xf32, #tpu.memory_space<vmem_shared>>
      tpu.enqueue_indirect_dma source(%arg11 : memref<128x128xf32, #tpu.memory_space<vmem>>) target(%dma_start3A_59 : memref<10112x128xf32, #tpu.memory_space<vmem_shared>>) offsets(%arg8 : memref<128xi32, #tpu.memory_space<vmem>>) semaphore(%arg15 : memref<!tpu.dma_semaphore, #tpu.memory_space<semaphore_mem>>) {add = true}
      %dma_wait3A_60 = arith.constant 0 : i32
      %dma_wait3A_61 = arith.constant 0 : i32
      %dma_wait3A_62 = tpu.memref_slice %arg2[%dma_wait3A_60, %dma_wait3A_61] : memref<10112x128xf32, #tpu.memory_space<hbm>> -> memref<10112x128xf32, #tpu.memory_space<hbm>>
      tpu.wait_indirect_dma semaphore(%arg14 : memref<!tpu.dma_semaphore, #tpu.memory_space<semaphore_mem>>) src(%dma_wait3A_62 : memref<10112x128xf32, #tpu.memory_space<hbm>>) dst(%arg12 : memref<128x128xf32, #tpu.memory_space<vmem>>)
      %dma_start3A_63 = arith.constant 0 : i32
      %dma_start3A_64 = arith.constant 0 : i32
      %dma_start3A_65 = tpu.memref_slice %arg16[%dma_start3A_63, %dma_start3A_64] : memref<10112x128xf32, #tpu.memory_space<vmem_shared>> -> memref<10112x128xf32, #tpu.memory_space<vmem_shared>>
      tpu.enqueue_indirect_dma source(%arg12 : memref<128x128xf32, #tpu.memory_space<vmem>>) target(%dma_start3A_65 : memref<10112x128xf32, #tpu.memory_space<vmem_shared>>) offsets(%arg10 : memref<128xi32, #tpu.memory_space<vmem>>) semaphore(%arg15 : memref<!tpu.dma_semaphore, #tpu.memory_space<semaphore_mem>>) {add = true}
      %dma_wait3A_66 = arith.constant 0 : i32
      %dma_wait3A_67 = arith.constant 0 : i32
      %dma_wait3A_68 = tpu.memref_slice %arg16[%dma_wait3A_66, %dma_wait3A_67] : memref<10112x128xf32, #tpu.memory_space<vmem_shared>> -> memref<10112x128xf32, #tpu.memory_space<vmem_shared>>
      tpu.wait_indirect_dma semaphore(%arg15 : memref<!tpu.dma_semaphore, #tpu.memory_space<semaphore_mem>>) src(%arg11 : memref<128x128xf32, #tpu.memory_space<vmem>>) dst(%dma_wait3A_68 : memref<10112x128xf32, #tpu.memory_space<vmem_shared>>)
      %dma_wait3A_69 = arith.constant 0 : i32
      %dma_wait3A_70 = arith.constant 0 : i32
      %dma_wait3A_71 = tpu.memref_slice %arg16[%dma_wait3A_69, %dma_wait3A_70] : memref<10112x128xf32, #tpu.memory_space<vmem_shared>> -> memref<10112x128xf32, #tpu.memory_space<vmem_shared>>
      tpu.wait_indirect_dma semaphore(%arg15 : memref<!tpu.dma_semaphore, #tpu.memory_space<semaphore_mem>>) src(%arg12 : memref<128x128xf32, #tpu.memory_space<vmem>>) dst(%dma_wait3A_71 : memref<10112x128xf32, #tpu.memory_space<vmem_shared>>)
    }
    %scan3A_11 = arith.constant 40 : i32
    %barrier3A_12 = arith.constant 0 : index
    tpu.barrier barrier_id(%barrier3A_12)
    %mul3A_13 = arith.constant 632 : i32
    %mul3A_14 = arith.muli %arg1, %mul3A_13 : i32
    %mul3A_15 = arith.constant 632 : i32
    %mul3A_16 = arith.muli %arg1, %mul3A_15 : i32
    "tpu.region"() ({
      %run_scoped3A = tpu.sem_alloc : memref<!tpu.dma_semaphore, #tpu.memory_space<semaphore_mem>>
      %dma_start3A = arith.constant 0 : i32
      %dma_start3A_17 = arith.constant 0 : i32
      %dma_start3A_18 = tpu.memref_slice %arg6[%arg0, %dma_start3A, %dma_start3A_17] : memref<2x10112x128xf32, #tpu.memory_space<hbm>> -> memref<1x10112x128xf32, #tpu.memory_space<hbm>>
      %dma_start3A_19 = tpu.memref_squeeze %dma_start3A_18 : memref<1x10112x128xf32, #tpu.memory_space<hbm>> -> memref<10112x128xf32, #tpu.memory_space<hbm>>
      %dma_start3A_20 = arith.constant 0 : i32
      %dma_start3A_21 = tpu.memref_slice %dma_start3A_19[%mul3A_16, %dma_start3A_20] : memref<10112x128xf32, #tpu.memory_space<hbm>> -> memref<632x128xf32, #tpu.memory_space<hbm>>
      %dma_start3A_22 = arith.constant 0 : i32
      %dma_start3A_23 = tpu.memref_slice %arg16[%mul3A_14, %dma_start3A_22] : memref<10112x128xf32, #tpu.memory_space<vmem_shared>> -> memref<632x128xf32, #tpu.memory_space<vmem_shared>>
      tpu.enqueue_dma source(%dma_start3A_23 : memref<632x128xf32, #tpu.memory_space<vmem_shared>>) target(%dma_start3A_21 : memref<632x128xf32, #tpu.memory_space<hbm>>) target_semaphore(%run_scoped3A : memref<!tpu.dma_semaphore, #tpu.memory_space<semaphore_mem>>)
      %dma_wait3A = arith.constant 0 : i32
      %dma_wait3A_24 = arith.constant 0 : i32
      %dma_wait3A_25 = tpu.memref_slice %arg6[%arg0, %dma_wait3A, %dma_wait3A_24] : memref<2x10112x128xf32, #tpu.memory_space<hbm>> -> memref<1x10112x128xf32, #tpu.memory_space<hbm>>
      %dma_wait3A_26 = tpu.memref_squeeze %dma_wait3A_25 : memref<1x10112x128xf32, #tpu.memory_space<hbm>> -> memref<10112x128xf32, #tpu.memory_space<hbm>>
      %dma_wait3A_27 = arith.constant 0 : i32
      %dma_wait3A_28 = tpu.memref_slice %dma_wait3A_26[%mul3A_16, %dma_wait3A_27] : memref<10112x128xf32, #tpu.memory_space<hbm>> -> memref<632x128xf32, #tpu.memory_space<hbm>>
      %dma_wait3A_29 = arith.constant 0 : i32
      %dma_wait3A_30 = tpu.memref_slice %arg16[%mul3A_14, %dma_wait3A_29] : memref<10112x128xf32, #tpu.memory_space<vmem_shared>> -> memref<632x128xf32, #tpu.memory_space<vmem_shared>>
      tpu.wait_dma2 semaphore(%run_scoped3A : memref<!tpu.dma_semaphore, #tpu.memory_space<semaphore_mem>>) src(%dma_wait3A_30 : memref<632x128xf32, #tpu.memory_space<vmem_shared>>) dst(%dma_wait3A_28 : memref<632x128xf32, #tpu.memory_space<hbm>>)
      tpu.yield
    }) : () -> ()
    return
  }
}

#map = affine_map<(d0, d1) -> (0, 0)>
#map1 = affine_map<(d0, d1) -> (0)>
#map2 = affine_map<(d0, d1) -> (0, 0, 0)>
module attributes {stable_mosaic.version = 14 : i64} {
  func.func @k(%arg0: i32, %arg1: i32, %arg2: memref<10000x128xf32, #tpu.memory_space<hbm>>, %arg3: memref<327680xi32, #tpu.memory_space<hbm>>, %arg4: memref<327680xi32, #tpu.memory_space<hbm>>, %arg5: memref<10112x128xf32, #tpu.memory_space<hbm>>, %arg6: memref<2x10112x128xf32, #tpu.memory_space<hbm>>, %arg7: memref<32x10112xf32, #tpu.memory_space<hbm>>, %arg8: memref<128xi32, #tpu.memory_space<vmem>>, %arg9: memref<128xi32, #tpu.memory_space<vmem>>, %arg10: memref<128xi32, #tpu.memory_space<vmem>>, %arg11: memref<128xi32, #tpu.memory_space<vmem>>, %arg12: memref<128x128xf32, #tpu.memory_space<vmem>>, %arg13: memref<128x128xf32, #tpu.memory_space<vmem>>, %arg14: memref<!tpu.dma_semaphore, #tpu.memory_space<semaphore_mem>>, %arg15: memref<!tpu.dma_semaphore, #tpu.memory_space<semaphore_mem>>, %arg16: memref<!tpu.dma_semaphore, #tpu.memory_space<semaphore_mem>>, %arg17: memref<10112x128xf32, #tpu.memory_space<vmem_shared>>, %arg18: memref<10112xf32, #tpu.memory_space<vmem>>) attributes {dimension_semantics = [#tpu.dimension_semantics<core_parallel>, #tpu.dimension_semantics<subcore_parallel>], iteration_bounds = array<i64: 2, 16>, scalar_prefetch = 0 : i64, scratch_operands = 11 : i64, tpu.core_type = #tpu.core_type<sc_vector_subcore>, window_params = [{transform_indices = #map}, {transform_indices = #map1}, {transform_indices = #map1}, {transform_indices = #map}, {transform_indices = #map2}, {transform_indices = #map}]} {
    %mul3A = arith.constant 16 : i32
    %mul3A_0 = arith.muli %arg0, %mul3A : i32
    %add3A = arith.addi %mul3A_0, %arg1 : i32
    %mul3A_1 = arith.constant 632 : i32
    %mul3A_2 = arith.muli %arg1, %mul3A_1 : i32
    %mul3A_3 = arith.constant 632 : i32
    %mul3A_4 = arith.muli %arg1, %mul3A_3 : i32
    "tpu.region"() ({
      %run_scoped3A = tpu.sem_alloc : memref<!tpu.dma_semaphore, #tpu.memory_space<semaphore_mem>>
      %dma_start3A = arith.constant 0 : i32
      %dma_start3A_24 = tpu.memref_slice %arg17[%mul3A_4, %dma_start3A] : memref<10112x128xf32, #tpu.memory_space<vmem_shared>> -> memref<632x128xf32, #tpu.memory_space<vmem_shared>>
      %dma_start3A_25 = arith.constant 0 : i32
      %dma_start3A_26 = tpu.memref_slice %arg5[%mul3A_2, %dma_start3A_25] : memref<10112x128xf32, #tpu.memory_space<hbm>> -> memref<632x128xf32, #tpu.memory_space<hbm>>
      tpu.enqueue_dma source(%dma_start3A_26 : memref<632x128xf32, #tpu.memory_space<hbm>>) target(%dma_start3A_24 : memref<632x128xf32, #tpu.memory_space<vmem_shared>>) target_semaphore(%run_scoped3A : memref<!tpu.dma_semaphore, #tpu.memory_space<semaphore_mem>>)
      %dma_wait3A = arith.constant 0 : i32
      %dma_wait3A_27 = tpu.memref_slice %arg17[%mul3A_4, %dma_wait3A] : memref<10112x128xf32, #tpu.memory_space<vmem_shared>> -> memref<632x128xf32, #tpu.memory_space<vmem_shared>>
      %dma_wait3A_28 = arith.constant 0 : i32
      %dma_wait3A_29 = tpu.memref_slice %arg5[%mul3A_2, %dma_wait3A_28] : memref<10112x128xf32, #tpu.memory_space<hbm>> -> memref<632x128xf32, #tpu.memory_space<hbm>>
      tpu.wait_dma2 semaphore(%run_scoped3A : memref<!tpu.dma_semaphore, #tpu.memory_space<semaphore_mem>>) src(%dma_wait3A_29 : memref<632x128xf32, #tpu.memory_space<hbm>>) dst(%dma_wait3A_27 : memref<632x128xf32, #tpu.memory_space<vmem_shared>>)
      tpu.yield
    }) : () -> ()
    %broadcast_in_dim3A = arith.constant 0.000000e+00 : f32
    %broadcast_in_dim3A_5 = vector.broadcast %broadcast_in_dim3A : f32 to vector<16xf32>
    %scan3A = arith.constant 0 : i32
    %scan3A_6 = arith.constant 632 : i32
    %scan3A_7 = arith.addi %scan3A, %scan3A_6 : i32
    %scan3A_8 = arith.constant 1 : i32
    scf.for %scan3A_24 = %scan3A to %scan3A_7 step %scan3A_8  : i32 {
      %mul3A_25 = arith.constant 16 : i32
      %mul3A_26 = arith.muli %scan3A_24, %mul3A_25 : i32
      %add3A_27 = arith.constant 0 : i32
      %add3A_28 = arith.addi %add3A_27, %mul3A_26 : i32
      %swap3A = arith.index_cast %add3A_28 : i32 to index
      %swap3A_29 = tpu.vector_load %arg18[%swap3A] {strides = array<i32>} : memref<10112xf32, #tpu.memory_space<vmem>>, vector<16xf32>,
      tpu.vector_store %arg18[%swap3A], %broadcast_in_dim3A_5 {strides = array<i32>} : memref<10112xf32, #tpu.memory_space<vmem>>, vector<16xf32>,
    }
    %scan3A_9 = arith.constant 632 : i32
    %barrier3A = arith.constant 0 : index
    tpu.barrier barrier_id(%barrier3A)
    %mul3A_10 = arith.constant 10240 : i32
    %mul3A_11 = arith.muli %add3A, %mul3A_10 : i32
    %multiple_of3A = tpu.assume_multiple %mul3A_11, 8 : i32
    %broadcast_in_dim3A_12 = arith.constant 1.000000e+00 : f32
    %broadcast_in_dim3A_13 = vector.broadcast %broadcast_in_dim3A_12 : f32 to vector<16xf32>
    %scan3A_14 = arith.constant 0 : i32
    %scan3A_15 = arith.constant 40 : i32
    %scan3A_16 = arith.addi %scan3A_14, %scan3A_15 : i32
    %scan3A_17 = arith.constant 1 : i32
    scf.for %scan3A_24 = %scan3A_14 to %scan3A_16 step %scan3A_17  : i32 {
      %mul3A_25 = arith.constant 2 : i32
      %mul3A_26 = arith.muli %scan3A_24, %mul3A_25 : i32
      %add3A_27 = arith.constant 0 : i32
      %add3A_28 = arith.addi %add3A_27, %mul3A_26 : i32
      %add3A_29 = arith.constant 0 : i32
      %add3A_30 = arith.addi %add3A_28, %add3A_29 : i32
      %mul3A_31 = arith.constant 128 : i32
      %mul3A_32 = arith.muli %add3A_30, %mul3A_31 : i32
      %add3A_33 = arith.addi %multiple_of3A, %mul3A_32 : i32
      %multiple_of3A_34 = tpu.assume_multiple %add3A_33, 8 : i32
      %dma_start3A = tpu.memref_slice %arg3[%multiple_of3A_34] : memref<327680xi32, #tpu.memory_space<hbm>> -> memref<128xi32, #tpu.memory_space<hbm>>
      %dma_start3A_35 = tpu.memref_slice %arg3[%multiple_of3A_34] : memref<327680xi32, #tpu.memory_space<hbm>> -> memref<128xi32, #tpu.memory_space<hbm>>
      tpu.enqueue_dma source(%dma_start3A_35 : memref<128xi32, #tpu.memory_space<hbm>>) target(%arg8 : memref<128xi32, #tpu.memory_space<vmem>>) target_semaphore(%arg14 : memref<!tpu.dma_semaphore, #tpu.memory_space<semaphore_mem>>)
      %dma_start3A_36 = tpu.memref_slice %arg4[%multiple_of3A_34] : memref<327680xi32, #tpu.memory_space<hbm>> -> memref<128xi32, #tpu.memory_space<hbm>>
      %dma_start3A_37 = tpu.memref_slice %arg4[%multiple_of3A_34] : memref<327680xi32, #tpu.memory_space<hbm>> -> memref<128xi32, #tpu.memory_space<hbm>>
      tpu.enqueue_dma source(%dma_start3A_37 : memref<128xi32, #tpu.memory_space<hbm>>) target(%arg9 : memref<128xi32, #tpu.memory_space<vmem>>) target_semaphore(%arg14 : memref<!tpu.dma_semaphore, #tpu.memory_space<semaphore_mem>>)
      %add3A_38 = arith.constant 1 : i32
      %add3A_39 = arith.addi %add3A_28, %add3A_38 : i32
      %mul3A_40 = arith.constant 128 : i32
      %mul3A_41 = arith.muli %add3A_39, %mul3A_40 : i32
      %add3A_42 = arith.addi %multiple_of3A, %mul3A_41 : i32
      %multiple_of3A_43 = tpu.assume_multiple %add3A_42, 8 : i32
      %dma_start3A_44 = tpu.memref_slice %arg3[%multiple_of3A_43] : memref<327680xi32, #tpu.memory_space<hbm>> -> memref<128xi32, #tpu.memory_space<hbm>>
      %dma_start3A_45 = tpu.memref_slice %arg3[%multiple_of3A_43] : memref<327680xi32, #tpu.memory_space<hbm>> -> memref<128xi32, #tpu.memory_space<hbm>>
      tpu.enqueue_dma source(%dma_start3A_45 : memref<128xi32, #tpu.memory_space<hbm>>) target(%arg10 : memref<128xi32, #tpu.memory_space<vmem>>) target_semaphore(%arg14 : memref<!tpu.dma_semaphore, #tpu.memory_space<semaphore_mem>>)
      %dma_start3A_46 = tpu.memref_slice %arg4[%multiple_of3A_43] : memref<327680xi32, #tpu.memory_space<hbm>> -> memref<128xi32, #tpu.memory_space<hbm>>
      %dma_start3A_47 = tpu.memref_slice %arg4[%multiple_of3A_43] : memref<327680xi32, #tpu.memory_space<hbm>> -> memref<128xi32, #tpu.memory_space<hbm>>
      tpu.enqueue_dma source(%dma_start3A_47 : memref<128xi32, #tpu.memory_space<hbm>>) target(%arg11 : memref<128xi32, #tpu.memory_space<vmem>>) target_semaphore(%arg14 : memref<!tpu.dma_semaphore, #tpu.memory_space<semaphore_mem>>)
      %dma_wait3A = tpu.memref_slice %arg3[%multiple_of3A_34] : memref<327680xi32, #tpu.memory_space<hbm>> -> memref<128xi32, #tpu.memory_space<hbm>>
      %dma_wait3A_48 = tpu.memref_slice %arg3[%multiple_of3A_34] : memref<327680xi32, #tpu.memory_space<hbm>> -> memref<128xi32, #tpu.memory_space<hbm>>
      tpu.wait_dma2 semaphore(%arg14 : memref<!tpu.dma_semaphore, #tpu.memory_space<semaphore_mem>>) src(%dma_wait3A_48 : memref<128xi32, #tpu.memory_space<hbm>>) dst(%arg8 : memref<128xi32, #tpu.memory_space<vmem>>)
      %dma_wait3A_49 = tpu.memref_slice %arg4[%multiple_of3A_34] : memref<327680xi32, #tpu.memory_space<hbm>> -> memref<128xi32, #tpu.memory_space<hbm>>
      %dma_wait3A_50 = tpu.memref_slice %arg4[%multiple_of3A_34] : memref<327680xi32, #tpu.memory_space<hbm>> -> memref<128xi32, #tpu.memory_space<hbm>>
      tpu.wait_dma2 semaphore(%arg14 : memref<!tpu.dma_semaphore, #tpu.memory_space<semaphore_mem>>) src(%dma_wait3A_50 : memref<128xi32, #tpu.memory_space<hbm>>) dst(%arg9 : memref<128xi32, #tpu.memory_space<vmem>>)
      %dma_wait3A_51 = tpu.memref_slice %arg3[%multiple_of3A_43] : memref<327680xi32, #tpu.memory_space<hbm>> -> memref<128xi32, #tpu.memory_space<hbm>>
      %dma_wait3A_52 = tpu.memref_slice %arg3[%multiple_of3A_43] : memref<327680xi32, #tpu.memory_space<hbm>> -> memref<128xi32, #tpu.memory_space<hbm>>
      tpu.wait_dma2 semaphore(%arg14 : memref<!tpu.dma_semaphore, #tpu.memory_space<semaphore_mem>>) src(%dma_wait3A_52 : memref<128xi32, #tpu.memory_space<hbm>>) dst(%arg10 : memref<128xi32, #tpu.memory_space<vmem>>)
      %dma_wait3A_53 = tpu.memref_slice %arg4[%multiple_of3A_43] : memref<327680xi32, #tpu.memory_space<hbm>> -> memref<128xi32, #tpu.memory_space<hbm>>
      %dma_wait3A_54 = tpu.memref_slice %arg4[%multiple_of3A_43] : memref<327680xi32, #tpu.memory_space<hbm>> -> memref<128xi32, #tpu.memory_space<hbm>>
      tpu.wait_dma2 semaphore(%arg14 : memref<!tpu.dma_semaphore, #tpu.memory_space<semaphore_mem>>) src(%dma_wait3A_54 : memref<128xi32, #tpu.memory_space<hbm>>) dst(%arg11 : memref<128xi32, #tpu.memory_space<vmem>>)
      %dma_start3A_55 = arith.constant 0 : i32
      %dma_start3A_56 = arith.constant 0 : i32
      %dma_start3A_57 = tpu.memref_slice %arg2[%dma_start3A_55, %dma_start3A_56] : memref<10000x128xf32, #tpu.memory_space<hbm>> -> memref<10000x128xf32, #tpu.memory_space<hbm>>
      tpu.enqueue_indirect_dma source(%dma_start3A_57 : memref<10000x128xf32, #tpu.memory_space<hbm>>) target(%arg12 : memref<128x128xf32, #tpu.memory_space<vmem>>) offsets(%arg8 : memref<128xi32, #tpu.memory_space<vmem>>) semaphore(%arg15 : memref<!tpu.dma_semaphore, #tpu.memory_space<semaphore_mem>>)
      %dma_start3A_58 = arith.constant 0 : i32
      %dma_start3A_59 = arith.constant 0 : i32
      %dma_start3A_60 = tpu.memref_slice %arg2[%dma_start3A_58, %dma_start3A_59] : memref<10000x128xf32, #tpu.memory_space<hbm>> -> memref<10000x128xf32, #tpu.memory_space<hbm>>
      tpu.enqueue_indirect_dma source(%dma_start3A_60 : memref<10000x128xf32, #tpu.memory_space<hbm>>) target(%arg13 : memref<128x128xf32, #tpu.memory_space<vmem>>) offsets(%arg10 : memref<128xi32, #tpu.memory_space<vmem>>) semaphore(%arg15 : memref<!tpu.dma_semaphore, #tpu.memory_space<semaphore_mem>>)
      %dma_wait3A_61 = arith.constant 0 : i32
      %dma_wait3A_62 = arith.constant 0 : i32
      %dma_wait3A_63 = tpu.memref_slice %arg2[%dma_wait3A_61, %dma_wait3A_62] : memref<10000x128xf32, #tpu.memory_space<hbm>> -> memref<10000x128xf32, #tpu.memory_space<hbm>>
      tpu.wait_indirect_dma semaphore(%arg15 : memref<!tpu.dma_semaphore, #tpu.memory_space<semaphore_mem>>) src(%dma_wait3A_63 : memref<10000x128xf32, #tpu.memory_space<hbm>>) dst(%arg12 : memref<128x128xf32, #tpu.memory_space<vmem>>)
      %dma_start3A_64 = arith.constant 0 : i32
      %dma_start3A_65 = arith.constant 0 : i32
      %dma_start3A_66 = tpu.memref_slice %arg17[%dma_start3A_64, %dma_start3A_65] : memref<10112x128xf32, #tpu.memory_space<vmem_shared>> -> memref<10112x128xf32, #tpu.memory_space<vmem_shared>>
      tpu.enqueue_indirect_dma source(%arg12 : memref<128x128xf32, #tpu.memory_space<vmem>>) target(%dma_start3A_66 : memref<10112x128xf32, #tpu.memory_space<vmem_shared>>) offsets(%arg9 : memref<128xi32, #tpu.memory_space<vmem>>) semaphore(%arg16 : memref<!tpu.dma_semaphore, #tpu.memory_space<semaphore_mem>>) {add = true}
      %scan3A_67 = arith.constant 0 : i32
      %scan3A_68 = arith.constant 8 : i32
      %scan3A_69 = arith.addi %scan3A_67, %scan3A_68 : i32
      %scan3A_70 = arith.constant 1 : i32
      scf.for %scan3A_89 = %scan3A_67 to %scan3A_69 step %scan3A_70  : i32 {
        %mul3A_90 = arith.constant 16 : i32
        %mul3A_91 = arith.muli %scan3A_89, %mul3A_90 : i32
        %add3A_92 = arith.constant 0 : i32
        %add3A_93 = arith.addi %add3A_92, %mul3A_91 : i32
        %get3A = arith.index_cast %add3A_93 : i32 to index
        %get3A_94 = tpu.vector_load %arg9[%get3A] {strides = array<i32>} : memref<128xi32, #tpu.memory_space<vmem>>, vector<16xi32>,
        tpu.vector_store_idx %arg18[%get3A_94], %broadcast_in_dim3A_13 {add = true} : memref<10112xf32, #tpu.memory_space<vmem>>[vector<16xi32>], vector<16xf32>,
      }
      %scan3A_71 = arith.constant 8 : i32
      %dma_wait3A_72 = arith.constant 0 : i32
      %dma_wait3A_73 = arith.constant 0 : i32
      %dma_wait3A_74 = tpu.memref_slice %arg2[%dma_wait3A_72, %dma_wait3A_73] : memref<10000x128xf32, #tpu.memory_space<hbm>> -> memref<10000x128xf32, #tpu.memory_space<hbm>>
      tpu.wait_indirect_dma semaphore(%arg15 : memref<!tpu.dma_semaphore, #tpu.memory_space<semaphore_mem>>) src(%dma_wait3A_74 : memref<10000x128xf32, #tpu.memory_space<hbm>>) dst(%arg13 : memref<128x128xf32, #tpu.memory_space<vmem>>)
      %dma_start3A_75 = arith.constant 0 : i32
      %dma_start3A_76 = arith.constant 0 : i32
      %dma_start3A_77 = tpu.memref_slice %arg17[%dma_start3A_75, %dma_start3A_76] : memref<10112x128xf32, #tpu.memory_space<vmem_shared>> -> memref<10112x128xf32, #tpu.memory_space<vmem_shared>>
      tpu.enqueue_indirect_dma source(%arg13 : memref<128x128xf32, #tpu.memory_space<vmem>>) target(%dma_start3A_77 : memref<10112x128xf32, #tpu.memory_space<vmem_shared>>) offsets(%arg11 : memref<128xi32, #tpu.memory_space<vmem>>) semaphore(%arg16 : memref<!tpu.dma_semaphore, #tpu.memory_space<semaphore_mem>>) {add = true}
      %scan3A_78 = arith.constant 0 : i32
      %scan3A_79 = arith.constant 8 : i32
      %scan3A_80 = arith.addi %scan3A_78, %scan3A_79 : i32
      %scan3A_81 = arith.constant 1 : i32
      scf.for %scan3A_89 = %scan3A_78 to %scan3A_80 step %scan3A_81  : i32 {
        %mul3A_90 = arith.constant 16 : i32
        %mul3A_91 = arith.muli %scan3A_89, %mul3A_90 : i32
        %add3A_92 = arith.constant 0 : i32
        %add3A_93 = arith.addi %add3A_92, %mul3A_91 : i32
        %get3A = arith.index_cast %add3A_93 : i32 to index
        %get3A_94 = tpu.vector_load %arg11[%get3A] {strides = array<i32>} : memref<128xi32, #tpu.memory_space<vmem>>, vector<16xi32>,
        tpu.vector_store_idx %arg18[%get3A_94], %broadcast_in_dim3A_13 {add = true} : memref<10112xf32, #tpu.memory_space<vmem>>[vector<16xi32>], vector<16xf32>,
      }
      %scan3A_82 = arith.constant 8 : i32
      %dma_wait3A_83 = arith.constant 0 : i32
      %dma_wait3A_84 = arith.constant 0 : i32
      %dma_wait3A_85 = tpu.memref_slice %arg17[%dma_wait3A_83, %dma_wait3A_84] : memref<10112x128xf32, #tpu.memory_space<vmem_shared>> -> memref<10112x128xf32, #tpu.memory_space<vmem_shared>>
      tpu.wait_indirect_dma semaphore(%arg16 : memref<!tpu.dma_semaphore, #tpu.memory_space<semaphore_mem>>) src(%arg12 : memref<128x128xf32, #tpu.memory_space<vmem>>) dst(%dma_wait3A_85 : memref<10112x128xf32, #tpu.memory_space<vmem_shared>>)
      %dma_wait3A_86 = arith.constant 0 : i32
      %dma_wait3A_87 = arith.constant 0 : i32
      %dma_wait3A_88 = tpu.memref_slice %arg17[%dma_wait3A_86, %dma_wait3A_87] : memref<10112x128xf32, #tpu.memory_space<vmem_shared>> -> memref<10112x128xf32, #tpu.memory_space<vmem_shared>>
      tpu.wait_indirect_dma semaphore(%arg16 : memref<!tpu.dma_semaphore, #tpu.memory_space<semaphore_mem>>) src(%arg13 : memref<128x128xf32, #tpu.memory_space<vmem>>) dst(%dma_wait3A_88 : memref<10112x128xf32, #tpu.memory_space<vmem_shared>>)
    }
    %scan3A_18 = arith.constant 40 : i32
    %barrier3A_19 = arith.constant 0 : index
    tpu.barrier barrier_id(%barrier3A_19)
    %mul3A_20 = arith.constant 632 : i32
    %mul3A_21 = arith.muli %arg1, %mul3A_20 : i32
    %mul3A_22 = arith.constant 632 : i32
    %mul3A_23 = arith.muli %arg1, %mul3A_22 : i32
    "tpu.region"() ({
      %run_scoped3A = tpu.sem_alloc : memref<!tpu.dma_semaphore, #tpu.memory_space<semaphore_mem>>
      %dma_start3A = arith.constant 0 : i32
      %dma_start3A_24 = arith.constant 0 : i32
      %dma_start3A_25 = tpu.memref_slice %arg6[%arg0, %dma_start3A, %dma_start3A_24] : memref<2x10112x128xf32, #tpu.memory_space<hbm>> -> memref<1x10112x128xf32, #tpu.memory_space<hbm>>
      %dma_start3A_26 = tpu.memref_squeeze %dma_start3A_25 : memref<1x10112x128xf32, #tpu.memory_space<hbm>> -> memref<10112x128xf32, #tpu.memory_space<hbm>>
      %dma_start3A_27 = arith.constant 0 : i32
      %dma_start3A_28 = tpu.memref_slice %dma_start3A_26[%mul3A_23, %dma_start3A_27] : memref<10112x128xf32, #tpu.memory_space<hbm>> -> memref<632x128xf32, #tpu.memory_space<hbm>>
      %dma_start3A_29 = arith.constant 0 : i32
      %dma_start3A_30 = tpu.memref_slice %arg17[%mul3A_21, %dma_start3A_29] : memref<10112x128xf32, #tpu.memory_space<vmem_shared>> -> memref<632x128xf32, #tpu.memory_space<vmem_shared>>
      tpu.enqueue_dma source(%dma_start3A_30 : memref<632x128xf32, #tpu.memory_space<vmem_shared>>) target(%dma_start3A_28 : memref<632x128xf32, #tpu.memory_space<hbm>>) target_semaphore(%run_scoped3A : memref<!tpu.dma_semaphore, #tpu.memory_space<semaphore_mem>>)
      %dma_wait3A = arith.constant 0 : i32
      %dma_wait3A_31 = arith.constant 0 : i32
      %dma_wait3A_32 = tpu.memref_slice %arg6[%arg0, %dma_wait3A, %dma_wait3A_31] : memref<2x10112x128xf32, #tpu.memory_space<hbm>> -> memref<1x10112x128xf32, #tpu.memory_space<hbm>>
      %dma_wait3A_33 = tpu.memref_squeeze %dma_wait3A_32 : memref<1x10112x128xf32, #tpu.memory_space<hbm>> -> memref<10112x128xf32, #tpu.memory_space<hbm>>
      %dma_wait3A_34 = arith.constant 0 : i32
      %dma_wait3A_35 = tpu.memref_slice %dma_wait3A_33[%mul3A_23, %dma_wait3A_34] : memref<10112x128xf32, #tpu.memory_space<hbm>> -> memref<632x128xf32, #tpu.memory_space<hbm>>
      %dma_wait3A_36 = arith.constant 0 : i32
      %dma_wait3A_37 = tpu.memref_slice %arg17[%mul3A_21, %dma_wait3A_36] : memref<10112x128xf32, #tpu.memory_space<vmem_shared>> -> memref<632x128xf32, #tpu.memory_space<vmem_shared>>
      tpu.wait_dma2 semaphore(%run_scoped3A : memref<!tpu.dma_semaphore, #tpu.memory_space<semaphore_mem>>) src(%dma_wait3A_37 : memref<632x128xf32, #tpu.memory_space<vmem_shared>>) dst(%dma_wait3A_35 : memref<632x128xf32, #tpu.memory_space<hbm>>)
      tpu.yield
    }) : () -> ()
    "tpu.region"() ({
      %run_scoped3A = tpu.sem_alloc : memref<!tpu.dma_semaphore, #tpu.memory_space<semaphore_mem>>
      %dma_start3A = arith.constant 0 : i32
      %dma_start3A_24 = tpu.memref_slice %arg7[%add3A, %dma_start3A] : memref<32x10112xf32, #tpu.memory_space<hbm>> -> memref<1x10112xf32, #tpu.memory_space<hbm>>
      %dma_start3A_25 = tpu.memref_squeeze %dma_start3A_24 : memref<1x10112xf32, #tpu.memory_space<hbm>> -> memref<10112xf32, #tpu.memory_space<hbm>>
      %dma_start3A_26 = arith.constant 0 : i32
      %dma_start3A_27 = tpu.memref_slice %arg7[%add3A, %dma_start3A_26] : memref<32x10112xf32, #tpu.memory_space<hbm>> -> memref<1x10112xf32, #tpu.memory_space<hbm>>
      %dma_start3A_28 = tpu.memref_squeeze %dma_start3A_27 : memref<1x10112xf32, #tpu.memory_space<hbm>> -> memref<10112xf32, #tpu.memory_space<hbm>>
      tpu.enqueue_dma source(%arg18 : memref<10112xf32, #tpu.memory_space<vmem>>) target(%dma_start3A_28 : memref<10112xf32, #tpu.memory_space<hbm>>) target_semaphore(%run_scoped3A : memref<!tpu.dma_semaphore, #tpu.memory_space<semaphore_mem>>)
      %dma_wait3A = arith.constant 0 : i32
      %dma_wait3A_29 = tpu.memref_slice %arg7[%add3A, %dma_wait3A] : memref<32x10112xf32, #tpu.memory_space<hbm>> -> memref<1x10112xf32, #tpu.memory_space<hbm>>
      %dma_wait3A_30 = tpu.memref_squeeze %dma_wait3A_29 : memref<1x10112xf32, #tpu.memory_space<hbm>> -> memref<10112xf32, #tpu.memory_space<hbm>>
      %dma_wait3A_31 = arith.constant 0 : i32
      %dma_wait3A_32 = tpu.memref_slice %arg7[%add3A, %dma_wait3A_31] : memref<32x10112xf32, #tpu.memory_space<hbm>> -> memref<1x10112xf32, #tpu.memory_space<hbm>>
      %dma_wait3A_33 = tpu.memref_squeeze %dma_wait3A_32 : memref<1x10112xf32, #tpu.memory_space<hbm>> -> memref<10112xf32, #tpu.memory_space<hbm>>
      tpu.wait_dma2 semaphore(%run_scoped3A : memref<!tpu.dma_semaphore, #tpu.memory_space<semaphore_mem>>) src(%arg18 : memref<10112xf32, #tpu.memory_space<vmem>>) dst(%dma_wait3A_33 : memref<10112xf32, #tpu.memory_space<hbm>>)
      tpu.yield
    }) : () -> ()
    return
  }
}

module attributes {stable_mosaic.version = 14 : i64} {
  func.func @body(%arg0: memref<2x10112x128xf32, #tpu.memory_space<vmem>>, %arg1: memref<32x10112xf32, #tpu.memory_space<vmem>>, %arg2: memref<10112x128xf32, #tpu.memory_space<vmem>>, %arg3: memref<128x128xf32, #tpu.memory_space<vmem>>, %arg4: memref<1x128xf32, #tpu.memory_space<vmem>>, %arg5: memref<128x128xf32, #tpu.memory_space<vmem>>, %arg6: memref<1x128xf32, #tpu.memory_space<vmem>>, %arg7: memref<10112x128xf32, #tpu.memory_space<vmem>>) attributes {dimension_semantics = [], scalar_prefetch = 0 : i64, scratch_operands = 0 : i64, tpu.core_type = #tpu.core_type<tc>} {
    %get3A = arith.constant 0 : index
    %get3A_0 = arith.constant 0 : index
    %get3A_1 = vector.load %arg1[%get3A, %get3A_0] : memref<32x10112xf32, #tpu.memory_space<vmem>>, vector<32x10112xf32>
    %reduce_sum3A = arith.constant dense<0.000000e+00> : vector<10112xf32>
    %reduce_sum3A_2 = vector.multi_reduction <add>, %get3A_1, %reduce_sum3A [0] : vector<32x10112xf32> to vector<10112xf32>
    %max3A = arith.constant 1.000000e+00 : f32
    %max3A_3 = vector.broadcast %max3A : f32 to vector<10112xf32>
    %max3A_4 = arith.maximumf %reduce_sum3A_2, %max3A_3 : vector<10112xf32>
    %reshape3A = vector.shape_cast %max3A_4 : vector<10112xf32> to vector<10112x1xf32>
    %get3A_5 = arith.constant 0 : index
    %get3A_6 = arith.constant 0 : index
    %get3A_7 = arith.constant 0 : index
    %get3A_8 = vector.load %arg0[%get3A_5, %get3A_6, %get3A_7] : memref<2x10112x128xf32, #tpu.memory_space<vmem>>, vector<1x10112x128xf32>
    %get3A_9 = vector.shape_cast %get3A_8 : vector<1x10112x128xf32> to vector<10112x128xf32>
    %get3A_10 = arith.constant 1 : index
    %get3A_11 = arith.constant 0 : index
    %get3A_12 = arith.constant 0 : index
    %get3A_13 = vector.load %arg0[%get3A_10, %get3A_11, %get3A_12] : memref<2x10112x128xf32, #tpu.memory_space<vmem>>, vector<1x10112x128xf32>
    %get3A_14 = vector.shape_cast %get3A_13 : vector<1x10112x128xf32> to vector<10112x128xf32>
    %add3A = arith.addf %get3A_9, %get3A_14 : vector<10112x128xf32>
    %div3A = vector.broadcast %reshape3A : vector<10112x1xf32> to vector<10112x128xf32>
    %div3A_15 = arith.divf %add3A, %div3A : vector<10112x128xf32>
    %get3A_16 = arith.constant 0 : index
    %get3A_17 = arith.constant 0 : index
    %get3A_18 = vector.load %arg3[%get3A_16, %get3A_17] : memref<128x128xf32, #tpu.memory_space<vmem>>, vector<128x128xf32>
    %dot_general3A = arith.constant dense<0.000000e+00> : vector<10112x128xf32>
    %dot_general3A_19 = tpu.matmul %div3A_15, %get3A_18, %dot_general3A {dimension_numbers = #tpu.dot_dimension_numbers<[1], [0], [0], [1], [0, 0, 1, 1], [], []>, transpose_lhs_hint = false} : vector<10112x128xf32>, vector<128x128xf32>, vector<10112x128xf32> -> vector<10112x128xf32>
    %get3A_20 = arith.constant 0 : index
    %get3A_21 = arith.constant 0 : index
    %get3A_22 = vector.load %arg2[%get3A_20, %get3A_21] : memref<10112x128xf32, #tpu.memory_space<vmem>>, vector<10112x128xf32>
    %get3A_23 = arith.constant 0 : index
    %get3A_24 = arith.constant 0 : index
    %get3A_25 = vector.load %arg5[%get3A_23, %get3A_24] : memref<128x128xf32, #tpu.memory_space<vmem>>, vector<128x128xf32>
    %dot_general3A_26 = arith.constant dense<0.000000e+00> : vector<10112x128xf32>
    %dot_general3A_27 = tpu.matmul %get3A_22, %get3A_25, %dot_general3A_26 {dimension_numbers = #tpu.dot_dimension_numbers<[1], [0], [0], [1], [0, 0, 1, 1], [], []>, transpose_lhs_hint = false} : vector<10112x128xf32>, vector<128x128xf32>, vector<10112x128xf32> -> vector<10112x128xf32>
    %add3A_28 = arith.addf %dot_general3A_19, %dot_general3A_27 : vector<10112x128xf32>
    %get3A_29 = arith.constant 0 : index
    %get3A_30 = arith.constant 0 : index
    %get3A_31 = vector.load %arg4[%get3A_29, %get3A_30] : memref<1x128xf32, #tpu.memory_space<vmem>>, vector<1x128xf32>
    %add3A_32 = vector.broadcast %get3A_31 : vector<1x128xf32> to vector<10112x128xf32>
    %add3A_33 = arith.addf %add3A_28, %add3A_32 : vector<10112x128xf32>
    %get3A_34 = arith.constant 0 : index
    %get3A_35 = arith.constant 0 : index
    %get3A_36 = vector.load %arg6[%get3A_34, %get3A_35] : memref<1x128xf32, #tpu.memory_space<vmem>>, vector<1x128xf32>
    %add3A_37 = vector.broadcast %get3A_36 : vector<1x128xf32> to vector<10112x128xf32>
    %add3A_38 = arith.addf %add3A_33, %add3A_37 : vector<10112x128xf32>
    %max3A_39 = arith.constant 0.000000e+00 : f32
    %max3A_40 = vector.broadcast %max3A_39 : f32 to vector<10112x128xf32>
    %max3A_41 = arith.maximumf %add3A_38, %max3A_40 : vector<10112x128xf32>
    %swap3A = arith.constant 0 : index
    %swap3A_42 = arith.constant 0 : index
    %swap3A_43 = vector.load %arg7[%swap3A, %swap3A_42] : memref<10112x128xf32, #tpu.memory_space<vmem>>, vector<10112x128xf32>
    tpu.vector_store %arg7[%swap3A, %swap3A_42], %max3A_41 {strides = array<i32>} : memref<10112x128xf32, #tpu.memory_space<vmem>>, vector<10112x128xf32>,
    return
  }
}

module attributes {stable_mosaic.version = 14 : i64} {
  func.func @body(%arg0: memref<2x10112x128xf32, #tpu.memory_space<vmem>>, %arg1: memref<32x10112xf32, #tpu.memory_space<vmem>>, %arg2: memref<10112x128xf32, #tpu.memory_space<vmem>>, %arg3: memref<128x128xf32, #tpu.memory_space<vmem>>, %arg4: memref<1x128xf32, #tpu.memory_space<vmem>>, %arg5: memref<128x128xf32, #tpu.memory_space<vmem>>, %arg6: memref<1x128xf32, #tpu.memory_space<vmem>>, %arg7: memref<10112x128xf32, #tpu.memory_space<vmem>>) attributes {dimension_semantics = [], scalar_prefetch = 0 : i64, scratch_operands = 0 : i64, tpu.core_type = #tpu.core_type<tc>} {
    %get3A = arith.constant 0 : index
    %get3A_0 = arith.constant 0 : index
    %get3A_1 = vector.load %arg1[%get3A, %get3A_0] : memref<32x10112xf32, #tpu.memory_space<vmem>>, vector<32x10112xf32>
    %reduce_sum3A = arith.constant dense<0.000000e+00> : vector<10112xf32>
    %reduce_sum3A_2 = vector.multi_reduction <add>, %get3A_1, %reduce_sum3A [0] : vector<32x10112xf32> to vector<10112xf32>
    %max3A = arith.constant 1.000000e+00 : f32
    %max3A_3 = vector.broadcast %max3A : f32 to vector<10112xf32>
    %max3A_4 = arith.maximumf %reduce_sum3A_2, %max3A_3 : vector<10112xf32>
    %reshape3A = vector.shape_cast %max3A_4 : vector<10112xf32> to vector<10112x1xf32>
    %get3A_5 = arith.constant 0 : index
    %get3A_6 = arith.constant 0 : index
    %get3A_7 = arith.constant 0 : index
    %get3A_8 = vector.load %arg0[%get3A_5, %get3A_6, %get3A_7] : memref<2x10112x128xf32, #tpu.memory_space<vmem>>, vector<1x10112x128xf32>
    %get3A_9 = vector.shape_cast %get3A_8 : vector<1x10112x128xf32> to vector<10112x128xf32>
    %get3A_10 = arith.constant 1 : index
    %get3A_11 = arith.constant 0 : index
    %get3A_12 = arith.constant 0 : index
    %get3A_13 = vector.load %arg0[%get3A_10, %get3A_11, %get3A_12] : memref<2x10112x128xf32, #tpu.memory_space<vmem>>, vector<1x10112x128xf32>
    %get3A_14 = vector.shape_cast %get3A_13 : vector<1x10112x128xf32> to vector<10112x128xf32>
    %add3A = arith.addf %get3A_9, %get3A_14 : vector<10112x128xf32>
    %div3A = vector.broadcast %reshape3A : vector<10112x1xf32> to vector<10112x128xf32>
    %div3A_15 = arith.divf %add3A, %div3A : vector<10112x128xf32>
    %get3A_16 = arith.constant 0 : index
    %get3A_17 = arith.constant 0 : index
    %get3A_18 = vector.load %arg3[%get3A_16, %get3A_17] : memref<128x128xf32, #tpu.memory_space<vmem>>, vector<128x128xf32>
    %dot_general3A = arith.constant dense<0.000000e+00> : vector<10112x128xf32>
    %dot_general3A_19 = tpu.matmul %div3A_15, %get3A_18, %dot_general3A {dimension_numbers = #tpu.dot_dimension_numbers<[1], [0], [0], [1], [0, 0, 1, 1], [], []>, transpose_lhs_hint = false} : vector<10112x128xf32>, vector<128x128xf32>, vector<10112x128xf32> -> vector<10112x128xf32>
    %get3A_20 = arith.constant 0 : index
    %get3A_21 = arith.constant 0 : index
    %get3A_22 = vector.load %arg2[%get3A_20, %get3A_21] : memref<10112x128xf32, #tpu.memory_space<vmem>>, vector<10112x128xf32>
    %get3A_23 = arith.constant 0 : index
    %get3A_24 = arith.constant 0 : index
    %get3A_25 = vector.load %arg5[%get3A_23, %get3A_24] : memref<128x128xf32, #tpu.memory_space<vmem>>, vector<128x128xf32>
    %dot_general3A_26 = arith.constant dense<0.000000e+00> : vector<10112x128xf32>
    %dot_general3A_27 = tpu.matmul %get3A_22, %get3A_25, %dot_general3A_26 {dimension_numbers = #tpu.dot_dimension_numbers<[1], [0], [0], [1], [0, 0, 1, 1], [], []>, transpose_lhs_hint = false} : vector<10112x128xf32>, vector<128x128xf32>, vector<10112x128xf32> -> vector<10112x128xf32>
    %add3A_28 = arith.addf %dot_general3A_19, %dot_general3A_27 : vector<10112x128xf32>
    %get3A_29 = arith.constant 0 : index
    %get3A_30 = arith.constant 0 : index
    %get3A_31 = vector.load %arg4[%get3A_29, %get3A_30] : memref<1x128xf32, #tpu.memory_space<vmem>>, vector<1x128xf32>
    %add3A_32 = vector.broadcast %get3A_31 : vector<1x128xf32> to vector<10112x128xf32>
    %add3A_33 = arith.addf %add3A_28, %add3A_32 : vector<10112x128xf32>
    %get3A_34 = arith.constant 0 : index
    %get3A_35 = arith.constant 0 : index
    %get3A_36 = vector.load %arg6[%get3A_34, %get3A_35] : memref<1x128xf32, #tpu.memory_space<vmem>>, vector<1x128xf32>
    %add3A_37 = vector.broadcast %get3A_36 : vector<1x128xf32> to vector<10112x128xf32>
    %add3A_38 = arith.addf %add3A_33, %add3A_37 : vector<10112x128xf32>
    %swap3A = arith.constant 0 : index
    %swap3A_39 = arith.constant 0 : index
    %swap3A_40 = vector.load %arg7[%swap3A, %swap3A_39] : memref<10112x128xf32, #tpu.memory_space<vmem>>, vector<10112x128xf32>
    tpu.vector_store %arg7[%swap3A, %swap3A_39], %add3A_38 {strides = array<i32>} : memref<10112x128xf32, #tpu.memory_space<vmem>>, vector<10112x128xf32>,
    return
  }
}

</mosaic_0001>

<sc_bundles>
// kernel: kernel.6.cloned.1.call-start
scs
__scs_entry_jumppad:
0x0: {  	(pc) =	sbr.rel $0x88, $3  }
0x1: {  	(tag) =	ssettag $0x0;
	lr =	simm.s32 $0x1  }
0x2: {  	[smem:$0x3F97] =	sst lr;
	_ =	strace $0xD0000000  }
0x3: {  	_ = 	snop  }
0x4: {  	_ = 	snop  }
0x5: {  	_ = 	snop  }
0x6: {  	_ = 	snop  }
0x7: {  	_ = 	snop  }
__scs_overlays_trampoline_lowered:
0x8: {  	[smem:$0x3FA6] =	sst s0  }
0x9: {  	[smem:$0x3FA7] =	sst s1  }
0xa: {  	[smem:$0x3FA8] =	sst s2  }
0xb: {  	[smem:$0x3FA9] =	sst s3  }
0xc: {  	[smem:$0x3FAA] =	sst s4  }
0xd: {  	[smem:$0x3FAB] =	sst s5  }
0xe: {  	[smem:$0x3FAC] =	sst s6  }
0xf: {  	[smem:$0x3FAD] =	sst s7  }
0x10: {  	[smem:$0x3FAE] =	sst s8  }
0x11: {  	[smem:$0x3FAF] =	sst s9;
	s0 =	simm.s32 @!p0 $0x0  }
0x12: {  	s1 =	sld [smem:$0x3F95];
	s0 =	simm.s32 @p0 $0x1  }
0x13: {  	[smem:$0x3FB0] =	sst s0;
	s0 =	simm.s32 @!p1 $0x0  }
0x14: {  	s2 =	sld [smem:$0x3F94];
	s0 =	simm.s32 @p1 $0x1  }
0x15: {  	[smem:$0x3FB1] =	sst s0;
	s0 =	simm.s32 @!p2 $0x0  }
0x16: {  	s3 =	sld [smem:$0x3FDB];
	s0 =	simm.s32 @p2 $0x1  }
0x17: {  	s4 =	simm.s32 $0x1BF5;
	[smem:$0x3FB3] =	sst s0  }
0x18: {  	s0 =	sld [smem:$0x3F96];
	_ =	swait.ge [sflag:s4], $0x0  }
0x19: {  	s7 =	sld [smem:$0x3F97]  }
0x1a: {  	s8 =	sadd.s32 $0xFFFFE003, lr  }
0x1b: {  	s9 =	sadd.s32 $0xFFFFFEF7, lr;
	s5 =	simm.s32 $0xFFFFFFFF;
	p2 =	slt.u32 s8, $0xFFFFF086  }
0x1c: {  	p1 =	slt.u32 s9, $0xF7A;
	s5 =	simm.s32 @!p2 $0x0  }
0x1d: {  	s5 =	simm.s32 @p1 $0x1;
	p0 =	seq.s32 s7, s2  }
0x1e: {  	s7 =	smul.u32 @!p0 $0xF7A, s2;
	p2 =	seq.s32 @!p0 s5, $0x0  }
0x1f: {  	s9 =	smul.u32 $0xF7A, s1;
	s8 =	simm.s32 @!p0 $0x1BF5;
	p2 =	por !p2, p0  }
0x20: {  	[sflag:s8] =	ssyncset.s32 @!p0 $0xFFFFF086;
	s6 =	sadd.s32 @!p0 s3, s7;
	s7 =	simm.s32 @!p0 $0x108  }
0x21: {  	s3 =	sadd.s32 s3, s9;
	s6 =	sadd.s32 @!p0 $0x88, s6;
	s7 =	simm.s32 @p2 $0x1082  }
0x22: {  	[simem:s7], [sflag:s8] =	dma.local @!p0 [hbm:s6], $0xF7A  }
0x23: {  	s9 =	sor.u32 $0xD0000000, s2;
	s6 =	simm.s32 $0x108;
	_ =	swait.ge @!p0 [sflag:s8], $0x0  }
0x24: {  	s3 =	sadd.s32 $0x88, s3;
	s6 =	simm.s32 @!p1 $0x1082;
	[sflag:s4] =	ssyncset.s32 $0xFFFFF086  }
0x25: {  	[simem:s6], [sflag:s4] =	dma.local [hbm:s3], $0xF7A  }
0x26: {  	[smem:$0x3F97] =	sst s1;
	(tag) =	ssettag s2;
	_ =	strace s9  }
0x27: {  	s1 =	sld [smem:$0x3FA7]  }
0x28: {  	s2 =	sld [smem:$0x3FA8]  }
0x29: {  	s4 =	sld [smem:$0x3FAA]  }
0x2a: {  	p0 =	seq.s32 s5, $0x0;
	s5 =	sld [smem:$0x3FAB]  }
0x2b: {  	s6 =	sld [smem:$0x3FAC]  }
0x2c: {  	s7 =	sld [smem:$0x3FAD]  }
0x2d: {  	s3 =	simm.s32 $0x108;
	s8 =	sld [smem:$0x3FAE]  }
0x2e: {  	s3 =	simm.s32 @!p0 $0x1082;
	s9 =	sld [smem:$0x3FAF]  }
0x2f: {  	lr =	sadd.s32 s0, s3;
	s0 =	sld [smem:$0x3FA6]  }
0x30: {  	s3 =	sld [smem:$0x3FA9]  }
0x31: {  	[smem:$0x3FB2] =	sst s10  }
0x32: {  	s10 =	sld [smem:$0x3FB0];
	_ =	sdelay $0x3  }
0x33: {  	p0 =	seq.s32 s10, $0x1;
	s10 =	sld [smem:$0x3FB2];
	_ =	sdelay $0x3  }
0x34: {  	[smem:$0x3FB2] =	sst s10  }
0x35: {  	s10 =	sld [smem:$0x3FB1];
	_ =	sdelay $0x3  }
0x36: {  	p1 =	seq.s32 s10, $0x1;
	s10 =	sld [smem:$0x3FB2];
	_ =	sdelay $0x3  }
0x37: {  	[smem:$0x3FB2] =	sst s10  }
0x38: {  	s10 =	sld [smem:$0x3FB3]  }
0x39: {  	_ = 	snop;
	(pc) =	sbr.ind lr, $3  }
0x3a: {  	_ = 	snop  }
0x3b: {  	_ = 	snop  }
0x3c: {  	p2 =	seq.s32 s10, $0x1;
	s10 =	sld [smem:$0x3FB2]  }
0x3d: {  	_ =	shalt  }
0x3e: {  	_ =	shalt  }
0x3f: {  	_ =	shalt  }
0x40: {  	_ =	shalt  }
0x41: {  	_ =	shalt  }
0x42: {  	_ =	shalt  }
0x43: {  	_ =	shalt  }
0x44: {  	_ =	shalt  }
0x45: {  	_ =	shalt  }
0x46: {  	_ =	shalt  }
0x47: {  	_ =	shalt  }
0x48: {  	_ =	shalt  }
0x49: {  	_ =	shalt  }
0x4a: {  	_ =	shalt  }
0x4b: {  	_ =	shalt  }
0x4c: {  	_ =	shalt  }
0x4d: {  	_ =	shalt  }
0x4e: {  	_ =	shalt  }
0x4f: {  	_ =	shalt  }
0x50: {  	_ =	shalt  }
0x51: {  	_ =	shalt  }
0x52: {  	_ =	shalt  }
0x53: {  	_ =	shalt  }
0x54: {  	_ =	shalt  }
0x55: {  	_ =	shalt  }
0x56: {  	_ =	shalt  }
0x57: {  	_ =	shalt  }
0x58: {  	_ =	shalt  }
0x59: {  	_ =	shalt  }
0x5a: {  	_ =	shalt  }
0x5b: {  	_ =	shalt  }
0x5c: {  	_ =	shalt  }
0x5d: {  	_ =	shalt  }
0x5e: {  	_ =	shalt  }
0x5f: {  	_ =	shalt  }
0x60: {  	_ =	shalt  }
0x61: {  	_ =	shalt  }
0x62: {  	_ =	shalt  }
0x63: {  	_ =	shalt  }
0x64: {  	_ =	shalt  }
0x65: {  	_ =	shalt  }
0x66: {  	_ =	shalt  }
0x67: {  	_ =	shalt  }
0x68: {  	_ =	shalt  }
0x69: {  	_ =	shalt  }
0x6a: {  	_ =	shalt  }
0x6b: {  	_ =	shalt  }
0x6c: {  	_ =	shalt  }
0x6d: {  	_ =	shalt  }
0x6e: {  	_ =	shalt  }
0x6f: {  	_ =	shalt  }
0x70: {  	_ =	shalt  }
0x71: {  	_ =	shalt  }
0x72: {  	_ =	shalt  }
0x73: {  	_ =	shalt  }
0x74: {  	_ =	shalt  }
0x75: {  	_ =	shalt  }
0x76: {  	_ =	shalt  }
0x77: {  	_ =	shalt  }
0x78: {  	_ =	shalt  }
0x79: {  	_ =	shalt  }
0x7a: {  	_ =	shalt  }
0x7b: {  	_ =	shalt  }
0x7c: {  	_ =	shalt  }
0x7d: {  	_ =	shalt  }
0x7e: {  	_ =	shalt  }
0x7f: {  	_ =	shalt  }
0x80: {  	_ =	shalt  }
0x81: {  	_ =	shalt  }
0x82: {  	_ =	shalt  }
0x83: {  	_ =	shalt  }
0x84: {  	_ =	shalt  }
0x85: {  	_ =	shalt  }
0x86: {  	_ =	shalt  }
0x87: {  	_ =	shalt  }
.Lfunc_end0:
.L_simem_size_0:
called_computation_lowered:
.L_overlay_start_0:
0x88: {  	s2 =	sld [smem:$0x3FD9]  }
0x89: {  	s3 =	sld [smem:$0x3FFE];
	_ =	sdelay $0x1  }
0x8a: {  	s1 =	srdreg.scid  }
0x8b: {  	s0 =	sand.u32 $0x1, s1  }
0x8c: {  	s17 =	sshll.u32 s0, $0xA;
	s2 =	sadd.s32 s3, s2  }
0x8d: {  	s2 =	sadd.s32 s2, s17  }
0x8e: {  	[smem:$0x3FBE] =	sst s2  }
0x8f: {  	_ = 	snop  }
0x90: {  	s2 =	sld [smem:$0x3FC9]  }
0x91: {  	s18 =	sld [smem:$0x3FD0];
	(tm) =	ssettm $0x1  }
0x92: {  	s4 =	sld [smem:$0x3FFB];
	_ =	sdelay $0x3  }
0x93: {  	_ =	strace s4  }
0x94: {  	s4 =	sld [smem:$0x3FFC];
	_ =	sdelay $0x3  }
0x95: {  	_ =	strace s4  }
0x96: {  	s4 =	sld [smem:$0x3FFD];
	_ =	sdelay $0x3  }
0x97: {  	_ =	strace s4  }
0x98: {  	_ =	strace $0x8FFFFFFF  }
0x99: {  	s19 =	sld [smem:$0x3FDB];
	_ =	sdelay $0x1  }
0x9a: {  	s5 =	simm.s32 $_scs_section_size  }
0x9b: {  	s6 =	simm.s32 $_size__tile_overlayer_lowered;
	s7 =	simm.s32 $_tile_overlayer_lowered  }
0x9c: {  	s22 =	simm.s32 $0x1BFF;
	s21 =	sshll.u32 s7, $0x1;
	s4 =	sadd.s32 s5, s19  }
0x9d: {  	s8 =	simm.s32 $0x0;
	s20 =	sshll.u32 s6, $0x1;
	s6 =	sadd.s32 s21, s4  }
0x9e: {  	[timem:s8], [sflag:s22] =	dma.local [hbm:s6], s20  }
0x9f: {  	_ =	swait.ge [sflag:s22], s20  }
0xa0: {  	s5 =	ssub.s32 $0x0, s20;
	[sflag:s22] =	ssyncset.done $0x0  }
0xa1: {  	[sflag:s22] =	ssyncadd.s32 s5;
	_ =	sdelay $0x1  }
0xa2: {  	s23 =	simm.s32 $0x1B8B  }
0xa3: {  	_ =	swait.ge [sflag:s23], $0x1  }
0xa4: {  	[sflag:s23] =	ssyncset.done $0x0  }
0xa5: {  	s25 =	simm.s32 $0x1B8E;
	s24 =	sld [smem:$0x3FFE];
	[sflag:s23] =	ssyncadd.s32 $0xFFFFFFFF  }
0xa6: {  	s26 =	simm.s32 $execute0_lowered;
	[smem:$0x3FD2] =	sst s25  }
0xa7: {  	s6 =	sshll.u32 s26, $0x1;
	_ =	strace $0x80000046;
	[dreg:$0x1] =	wrdreg $0xFFFFFFFF  }
0xa8: {  	s28 =	simm.s32 $_size_execute0_lowered;
	s4 =	sadd.s32 s4, s6;
	[dreg:$0x0] =	wrdreg $0x0  }
0xa9: {  	s6 =	sshll.u32 s28, $0x1;
	[dreg:$0x2] =	wrdreg s4  }
0xaa: {  	[dreg:$0x3] =	wrdreg s6  }
0xab: {  	[dreg:$0x4] =	wrdreg $0xC0  }
0xac: {  	_ =	task [dreg:s8], $0x5FFFF  }
0xad: {  	[dreg:$0x1] =	wrdreg $0xFFFFFFFF  }
0xae: {  	[dreg:$0x0] =	wrdreg $0x60  }
0xaf: {  	[dreg:$0x2] =	wrdreg s2  }
0xb0: {  	[dreg:$0x3] =	wrdreg s18  }
0xb1: {  	[dreg:$0x4] =	wrdreg s24  }
0xb2: {  	[dreg:$0x5] =	wrdreg $0x82000  }
0xb3: {  	[dreg:$0x6] =	wrdreg $0x9  }
0xb4: {  	_ =	task.clear_ibuf [dreg:s8], $0x7FFFF;
	_ =	strace $0x90000046  }
0xb5: {  	s29 =	simm.s32 $0x9;
	_ =	strace $0x80000048  }
0xb6: {  	_ =	swait.ge [sflag:s29], $0x1  }
0xb7: {  	[sflag:s29] =	ssyncadd.s32 $0xFFFFFFFF  }
0xb8: {  	_ =	strace $0x90000048  }
0xb9: {  	_ =	sfence  }
0xba: {  	s30 =	sld [smem:$0x0];
	_ =	sdelay $0x2  }
0xbb: {  	s31 =	sshll.u32 s1, $0xD;
	s1 =	sshrl.u32 s1, $0x2  }
0xbc: {  	s3 =	sand.u32 $0x4000, s31;
	s1 =	sadd.s32 s1, s30  }
0xbd: {  	s0 =	sor.u32 s3, s0;
	s1 =	sshll.u32 s1, $0x11  }
0xbe: {  	s0 =	sor.u32 s1, s0  }
0xbf: {  	s0 =	sadd.s32 $0x8F2B, s0  }
0xc0: {  	[sflag:s0] =	ssyncadd.remote.s32 $0x1  }
0xc1: {  	_ =	sfence.sel $0xFFFF  }
0xc2: {  	[dreg:$0x0] =	wrdreg $0xFFFFFFFF;
	(pc) =	sbr.abs _section_cstart, $3  }
0xc3: {  	[dreg:$0x1] =	wrdreg $0xFFFFFFFF  }
0xc4: {  	_ =	task.clear_ibuf [dreg:s8], $0x2FFFF;
	_ =	strace $0x9FFFFFFF  }
0xc5: {  	(tm) =	ssettm $0x7FFFFFFF  }
tec
execute0_lowered:
.L_overlay_start_1:
0x0: {  	(tag) =	ssettag $0x1  }
0x1: {  	s0 =	rddreg [dreg:$0x0]  }
0x2: {  	s12 =	rddreg [dreg:$0x1]  }
0x3: {  	s1 =	srdreg.scid;
	s5 =	rddreg [dreg:$0x2]  }
0x4: {  	s3 =	rddreg [dreg:$0x3];
	s2 =	stileid.u32;
	s17 =	simm.s32 $0x180  }
0x5: {  	s18 =	simm.s32 $0x1;
	s19 =	simm.s32 $0x200;
	s20 =	simm.s32 $0x4200  }
0x6: {  	s21 =	simm.s32 $0x2;
	s22 =	simm.s32 $0x1BE00;
	s24 =	smul.u32 $0x2780, s2  }
0x7: {  	s6 =	sand.u32 $0x1, s1;
	s1 =	rddreg [dreg:$0x4];
	s25 =	smul.u32 $0x4F000, s2  }
0x8: {  	s8 =	sshll.u32 s2, $0x7;
	s11 =	sadd.s32 $0x2A00, s5;
	s14 =	smul.u32 $0x2800, s2  }
0x9: {  	s29 =	sshll.u32 s2, $0x6;
	s4 =	sshll.u32 s6, $0x4;
	s9 =	smul.u32 $0x27800, s6  }
0xa: {  	s8 =	sand.u32 $0x380, s8;
	s26 =	ssub.s32 $0x2, s6;
	s13 =	smul.u32 $0x28000, s6  }
0xb: {  	s6 =	sor.u32 $0x1C04, s29;
	s7 =	sor.u32 s2, s4;
	s4 =	simm.s32 $0x0  }
0xc: {  	s10 =	sadd.s32 s24, s5;
	s28 =	sshrl.u32 s26, $0x1;
	s7 =	sshrl.u32 s7, $0x3  }
0xd: {  	[smem:$0x7FF] =	sst s4;
	s23 =	sadd.s32 s9, s5;
	s9 =	sshrl.u32 s25, $0x2  }
0xe: {  	s15 =	ssub.s32 s26, s28;
	s30 =	sadd.s32 s14, s13;
	s14 =	simm.s32 $0x4  }
0xf: {  	s26 =	simm.s32 $0x0;
	s7 =	smul.u32 $0x13C00, s7;
	_ =	strace $0x80000047  }
0x10: {  	s16 =	sadd.s32 s9, s3;
	s25 =	sadd.s32 $0x34200, s23;
	s31 =	sor.u32 $0x80, s30  }
0x11: {  	s13 =	sshrl.u32 s30, $0x3;
	s23 =	simm.s32 $0x3;
	s7 =	sor.u32 s8, s7  }
0x12: {  	s24 =	sadd.s32 s24, s25;
	s25 =	simm.s32 $0x400;
	s7 =	sshrl.u32 s7, $0x3  }
0x13: {  	s8 =	smax.u32 s15, $0x1;
	s15 =	simm.s32 $0x80;
	s7 =	sadd.s32 s7, s5  }
0x14: {  	s5 =	sadd.s32 $0xCA00, s10;
	s10 =	sshrl.u32 s31, $0x3;
	s7 =	sadd.s32 $0x83200, s7  }
0x15: {  	s9 =	sadd.s32 s10, s11;
	s10 =	sadd.s32 s10, s12;
	s11 =	sadd.s32 s13, s11  }
0x16: {  	v0 =	vimm.f32 $0.0e+00;
	v1 =	vimm.f32 $1.000000000e+00;
	s12 =	sadd.s32 s13, s12;
	s13 =	sshrl.u32 s16, $0x3;
	s16 =	simm.s32 $0x100  }
.LBB2_1:
0x17: {  	[spmem:s13], [sflag:s6] =	dma.local [hbm:s5], $0x2780  }
0x18: {  	_ =	swait.ge [sflag:s14], $0x2780  }
0x19: {  	[sflag:s14] =	ssyncset.done $0x0  }
0x1a: {  	s28 =	simm.s32 $0x40;
	s29 =	simm.s32 $0x0;
	[sflag:s14] =	ssyncadd.s32 $0xFFFFD880  }
.LBB2_2:
0x1b: {  	p0 =	sne.s32 s28, $0x9DC0;
	[tilespmem:s29+$0x1BE00] =	vst v0;
	s29 =	smov.u32 s28;
	s28 =	sadd.s32 $0x40, s28  }
.Ltmp0:
0x1c: {  	(pc) =	sbr.rel @p0 .LBB2_2-.Ltmp0, $2  }
0x1d: {  	_ =	sdelay $0x2  }
0x1e: {  	s29 =	sshra.s32 s29, $0x2  }
0x1f: {  	[tilespmem:s29+$0x1BE00] =	vst v0  }
0x20: {  	s28 =	simm.s32 $0x0;
	[bflag:$0x0] =	sbarrier.arrive $0xFFFF  }
.LBB2_4:
0x21: {  	s29 =	sadd.s32 s28, s12  }
0x22: {  	[tilespmem:s4], [sflag:$0x1] =	stream.linear.gather [hbm4b:s29+s4], $0x80, $0x38;
	[tilespmem:$0x1E580] =	vst v63  }
0x23: {  	s31 =	sadd.s32 s28, s11  }
0x24: {  	[tilespmem:s15], [sflag:$0x1] =	stream.linear.gather [hbm4b:s31+s4], $0x80, $0x38;
	[tilespmem:$0x1E580] =	vst v63  }
0x25: {  	s30 =	sadd.s32 s28, s10  }
0x26: {  	[tilespmem:s16], [sflag:$0x1] =	stream.linear.gather [hbm4b:s30+s4], $0x80, $0x38;
	[tilespmem:$0x1E580] =	vst v63  }
0x27: {  	s31 =	sadd.s32 s28, s9  }
0x28: {  	[tilespmem:s17], [sflag:$0x1] =	stream.linear.gather [hbm4b:s31+s4], $0x80, $0x38;
	[tilespmem:$0x1E580] =	vst v63  }
0x29: {  	_ =	swait.ge [sflag:s18], $0x80  }
0x2a: {  	[sflag:s18] =	ssyncset.done $0x0  }
0x2b: {  	[sflag:s18] =	ssyncadd.s32 $0xFFFFFF80  }
0x2c: {  	_ =	swait.ge [sflag:s18], $0x80  }
0x2d: {  	[sflag:s18] =	ssyncset.done $0x0  }
0x2e: {  	[sflag:s18] =	ssyncadd.s32 $0xFFFFFF80  }
0x2f: {  	_ =	swait.ge [sflag:s18], $0x80  }
0x30: {  	[sflag:s18] =	ssyncset.done $0x0  }
0x31: {  	[sflag:s18] =	ssyncadd.s32 $0xFFFFFF80  }
0x32: {  	_ =	swait.ge [sflag:s18], $0x80  }
0x33: {  	[sflag:s18] =	ssyncset.done $0x0  }
0x34: {  	[sflag:s18] =	ssyncadd.s32 $0xFFFFFF80  }
0x35: {  	[tilespmem:s19], [sflag:$0x2] =	stream.indirect.gather [hbm4b:s0+s15], $0x80, s4, s15, $0xb8;
	[tilespmem:$0x1E580] =	vst v63  }
0x36: {  	_ = 	snop  }
0x37: {  	[tilespmem:s20], [sflag:$0x2] =	stream.indirect.gather [hbm4b:s0+s15], $0x80, s16, s15, $0xb8;
	[tilespmem:$0x1E580] =	vst v63  }
0x38: {  	_ =	swait.ge [sflag:s21], $0x4000  }
0x39: {  	[sflag:s21] =	ssyncset.done $0x0  }
0x3a: {  	[sflag:s21] =	ssyncadd.s32 $0xFFFFC000  }
0x3b: {  	[spmem:s3] =	stream.indirect.scatter.add.f32 [tilespmem:s19], [sflag:$0x3], $0x80, s15, s15, $0xb8;
	[tilespmem:$0x1E580] =	vst v63  }
0x3c: {  	v2 =	vld [tilespmem:$0x80];
	_ =	sdelay $0x7  }
0x3d: {  	[tilespmem:v2+s22+$0x0] =	vst.idx.add.f32.msk $0xffff, v1  }
0x3e: {  	v2 =	vld [tilespmem:$0x90];
	_ =	sdelay $0x7  }
0x3f: {  	[tilespmem:v2+s22+$0x0] =	vst.idx.add.f32.msk $0xffff, v1  }
0x40: {  	v2 =	vld [tilespmem:$0xA0];
	_ =	sdelay $0x7  }
0x41: {  	[tilespmem:v2+s22+$0x0] =	vst.idx.add.f32.msk $0xffff, v1  }
0x42: {  	v2 =	vld [tilespmem:$0xB0];
	_ =	sdelay $0x7  }
0x43: {  	[tilespmem:v2+s22+$0x0] =	vst.idx.add.f32.msk $0xffff, v1  }
0x44: {  	v2 =	vld [tilespmem:$0xC0];
	_ =	sdelay $0x7  }
0x45: {  	[tilespmem:v2+s22+$0x0] =	vst.idx.add.f32.msk $0xffff, v1  }
0x46: {  	v2 =	vld [tilespmem:$0xD0];
	_ =	sdelay $0x7  }
0x47: {  	[tilespmem:v2+s22+$0x0] =	vst.idx.add.f32.msk $0xffff, v1  }
0x48: {  	v2 =	vld [tilespmem:$0xE0];
	_ =	sdelay $0x7  }
0x49: {  	[tilespmem:v2+s22+$0x0] =	vst.idx.add.f32.msk $0xffff, v1  }
0x4a: {  	v2 =	vld [tilespmem:$0xF0];
	_ =	sdelay $0x7  }
0x4b: {  	[tilespmem:v2+s22+$0x0] =	vst.idx.add.f32.msk $0xffff, v1  }
0x4c: {  	_ =	swait.ge [sflag:s21], $0x4000  }
0x4d: {  	[sflag:s21] =	ssyncset.done $0x0  }
0x4e: {  	[sflag:s21] =	ssyncadd.s32 $0xFFFFC000  }
0x4f: {  	[spmem:s3] =	stream.indirect.scatter.add.f32 [tilespmem:s20], [sflag:$0x3], $0x80, s17, s15, $0xb8;
	[tilespmem:$0x1E580] =	vst v63  }
0x50: {  	v2 =	vld [tilespmem:$0x180];
	_ =	sdelay $0x7  }
0x51: {  	[tilespmem:v2+s22+$0x0] =	vst.idx.add.f32.msk $0xffff, v1  }
0x52: {  	v2 =	vld [tilespmem:$0x190];
	_ =	sdelay $0x7  }
0x53: {  	[tilespmem:v2+s22+$0x0] =	vst.idx.add.f32.msk $0xffff, v1  }
0x54: {  	v2 =	vld [tilespmem:$0x1A0];
	_ =	sdelay $0x7  }
0x55: {  	[tilespmem:v2+s22+$0x0] =	vst.idx.add.f32.msk $0xffff, v1  }
0x56: {  	v2 =	vld [tilespmem:$0x1B0];
	_ =	sdelay $0x7  }
0x57: {  	[tilespmem:v2+s22+$0x0] =	vst.idx.add.f32.msk $0xffff, v1  }
0x58: {  	v2 =	vld [tilespmem:$0x1C0];
	_ =	sdelay $0x7  }
0x59: {  	[tilespmem:v2+s22+$0x0] =	vst.idx.add.f32.msk $0xffff, v1  }
0x5a: {  	v2 =	vld [tilespmem:$0x1D0];
	_ =	sdelay $0x7  }
0x5b: {  	[tilespmem:v2+s22+$0x0] =	vst.idx.add.f32.msk $0xffff, v1  }
0x5c: {  	v2 =	vld [tilespmem:$0x1E0];
	_ =	sdelay $0x7  }
0x5d: {  	[tilespmem:v2+s22+$0x0] =	vst.idx.add.f32.msk $0xffff, v1  }
0x5e: {  	v2 =	vld [tilespmem:$0x1F0];
	_ =	sdelay $0x7  }
0x5f: {  	[tilespmem:v2+s22+$0x0] =	vst.idx.add.f32.msk $0xffff, v1  }
0x60: {  	p0 =	sne.s32 s28, $0x4E0;
	_ =	swait.ge [sflag:s23], $0x4000  }
.Ltmp1:
0x61: {  	[sflag:s23] =	ssyncset.done $0x0;
	(pc) =	sbr.rel @p0 .LBB2_4-.Ltmp1, $4  }
0x62: {  	[sflag:s23] =	ssyncadd.s32 $0xFFFFC000  }
0x63: {  	_ =	swait.ge [sflag:s23], $0x4000  }
0x64: {  	[sflag:s23] =	ssyncset.done $0x0  }
0x65: {  	s28 =	sadd.s32 $0x20, s28;
	[sflag:s23] =	ssyncadd.s32 $0xFFFFC000  }
0x66: {  	[bflag:$0x0] =	sbarrier.arrive $0xFFFF  }
0x67: {  	[hbm:s24], [sflag:s6] =	dma.local [spmem:s13], $0x2780  }
0x68: {  	s26 =	sadd.s32 $0x1, s26;
	_ =	swait.ge [sflag:s14], $0x2780  }
0x69: {  	p0 =	sne.s32 s26, s8;
	[sflag:s14] =	ssyncset.done $0x0  }
.Ltmp2:
0x6a: {  	[sflag:s14] =	ssyncadd.s32 $0xFFFFD880;
	(pc) =	sbr.rel @p0 .LBB2_1-.Ltmp2, $4  }
0x6b: {  	[hbm4b:s7+s15] =	stream.strided.scatter [tilespmem:s22], [sflag:$0x4], $0x2780, s25, s15, $0x38;
	[tilespmem:$0x1E580] =	vst v63  }
0x6c: {  	_ =	swait.ge [sflag:s14], $0x2780  }
0x6d: {  	[sflag:s14] =	ssyncset.done $0x0  }
0x6e: {  	[sflag:s14] =	ssyncadd.s32 $0xFFFFD880  }
0x6f: {  	_ =	sfence.sel $0x180000  }
0x70: {  	[bflag:$0x0] =	sbarrier.arrive $0xFFFF  }
0x71: {  	p0 =	sne.s32 s2, $0x0;
	_ =	strace $0x90000047  }
0x72: {  	s0 =	sadd.s32 @!p0 $0x100000, s1;
	[bflag:$0x2] =	sbarrier.arrive $0xFFFF  }
0x73: {  	[sflag:s0] =	ssyncadd.tile.s32 @!p0 $0x1;
	_ =	shalt  }
.Lfunc_end2:
_tile_overlayer_lowered:
.L_overlay_start_2:
0x74: {  	(tag) =	ssettag $0x2  }
0x75: {  	s0 =	rddreg [dreg:$0x0];
	s2 =	stileid.u32  }
0x76: {  	s1 =	rddreg [dreg:$0x1];
	p0 =	sne.s32 s2, $0x0  }
0x77: {  	s3 =	rddreg [dreg:$0x2];
	[bflag:$0x3] =	sbarrier.arrive $0xFFFF;
	s2 =	simm.s32 @!p0 $0x1C04  }
0x78: {  	[timem:s3], [sflag:s2] =	dma.local @!p0 [hbm:s0], s1  }
0x79: {  	s0 =	simm.s32 @!p0 $0x4  }
0x7a: {  	_ =	swait.ge @!p0 [sflag:s0], s1  }
0x7b: {  	s1 =	ssub.s32 @!p0 $0x0, s1;
	[sflag:s0] =	ssyncset.done @!p0 $0x0  }
0x7c: {  	[sflag:s0] =	ssyncadd.s32 @!p0 s1  }
0x7d: {  	[bflag:$0x3] =	sbarrier.arrive $0xFFFF  }
0x7e: {  	_ =	shalt  }

// kernel: kernel.9.cloned.1.call-start
scs
__scs_entry_jumppad:
0x0: {  	(pc) =	sbr.rel $0x88, $3  }
0x1: {  	(tag) =	ssettag $0x0;
	lr =	simm.s32 $0x1  }
0x2: {  	[smem:$0x3F97] =	sst lr;
	_ =	strace $0xD0000000  }
0x3: {  	_ = 	snop  }
0x4: {  	_ = 	snop  }
0x5: {  	_ = 	snop  }
0x6: {  	_ = 	snop  }
0x7: {  	_ = 	snop  }
__scs_overlays_trampoline_lowered:
0x8: {  	[smem:$0x3FA6] =	sst s0  }
0x9: {  	[smem:$0x3FA7] =	sst s1  }
0xa: {  	[smem:$0x3FA8] =	sst s2  }
0xb: {  	[smem:$0x3FA9] =	sst s3  }
0xc: {  	[smem:$0x3FAA] =	sst s4  }
0xd: {  	[smem:$0x3FAB] =	sst s5  }
0xe: {  	[smem:$0x3FAC] =	sst s6  }
0xf: {  	[smem:$0x3FAD] =	sst s7  }
0x10: {  	[smem:$0x3FAE] =	sst s8  }
0x11: {  	[smem:$0x3FAF] =	sst s9;
	s0 =	simm.s32 @!p0 $0x0  }
0x12: {  	s1 =	sld [smem:$0x3F95];
	s0 =	simm.s32 @p0 $0x1  }
0x13: {  	[smem:$0x3FB0] =	sst s0;
	s0 =	simm.s32 @!p1 $0x0  }
0x14: {  	s2 =	sld [smem:$0x3F94];
	s0 =	simm.s32 @p1 $0x1  }
0x15: {  	[smem:$0x3FB1] =	sst s0;
	s0 =	simm.s32 @!p2 $0x0  }
0x16: {  	s3 =	sld [smem:$0x3FDB];
	s0 =	simm.s32 @p2 $0x1  }
0x17: {  	s4 =	simm.s32 $0x1BF5;
	[smem:$0x3FB3] =	sst s0  }
0x18: {  	s0 =	sld [smem:$0x3F96];
	_ =	swait.ge [sflag:s4], $0x0  }
0x19: {  	s7 =	sld [smem:$0x3F97]  }
0x1a: {  	s8 =	sadd.s32 $0xFFFFE003, lr  }
0x1b: {  	s9 =	sadd.s32 $0xFFFFFEF7, lr;
	s5 =	simm.s32 $0xFFFFFFFF;
	p2 =	slt.u32 s8, $0xFFFFF086  }
0x1c: {  	p1 =	slt.u32 s9, $0xF7A;
	s5 =	simm.s32 @!p2 $0x0  }
0x1d: {  	s5 =	simm.s32 @p1 $0x1;
	p0 =	seq.s32 s7, s2  }
0x1e: {  	s7 =	smul.u32 @!p0 $0xF7A, s2;
	p2 =	seq.s32 @!p0 s5, $0x0  }
0x1f: {  	s9 =	smul.u32 $0xF7A, s1;
	s8 =	simm.s32 @!p0 $0x1BF5;
	p2 =	por !p2, p0  }
0x20: {  	[sflag:s8] =	ssyncset.s32 @!p0 $0xFFFFF086;
	s6 =	sadd.s32 @!p0 s3, s7;
	s7 =	simm.s32 @!p0 $0x108  }
0x21: {  	s3 =	sadd.s32 s3, s9;
	s6 =	sadd.s32 @!p0 $0x88, s6;
	s7 =	simm.s32 @p2 $0x1082  }
0x22: {  	[simem:s7], [sflag:s8] =	dma.local @!p0 [hbm:s6], $0xF7A  }
0x23: {  	s9 =	sor.u32 $0xD0000000, s2;
	s6 =	simm.s32 $0x108;
	_ =	swait.ge @!p0 [sflag:s8], $0x0  }
0x24: {  	s3 =	sadd.s32 $0x88, s3;
	s6 =	simm.s32 @!p1 $0x1082;
	[sflag:s4] =	ssyncset.s32 $0xFFFFF086  }
0x25: {  	[simem:s6], [sflag:s4] =	dma.local [hbm:s3], $0xF7A  }
0x26: {  	[smem:$0x3F97] =	sst s1;
	(tag) =	ssettag s2;
	_ =	strace s9  }
0x27: {  	s1 =	sld [smem:$0x3FA7]  }
0x28: {  	s2 =	sld [smem:$0x3FA8]  }
0x29: {  	s4 =	sld [smem:$0x3FAA]  }
0x2a: {  	p0 =	seq.s32 s5, $0x0;
	s5 =	sld [smem:$0x3FAB]  }
0x2b: {  	s6 =	sld [smem:$0x3FAC]  }
0x2c: {  	s7 =	sld [smem:$0x3FAD]  }
0x2d: {  	s3 =	simm.s32 $0x108;
	s8 =	sld [smem:$0x3FAE]  }
0x2e: {  	s3 =	simm.s32 @!p0 $0x1082;
	s9 =	sld [smem:$0x3FAF]  }
0x2f: {  	lr =	sadd.s32 s0, s3;
	s0 =	sld [smem:$0x3FA6]  }
0x30: {  	s3 =	sld [smem:$0x3FA9]  }
0x31: {  	[smem:$0x3FB2] =	sst s10  }
0x32: {  	s10 =	sld [smem:$0x3FB0];
	_ =	sdelay $0x3  }
0x33: {  	p0 =	seq.s32 s10, $0x1;
	s10 =	sld [smem:$0x3FB2];
	_ =	sdelay $0x3  }
0x34: {  	[smem:$0x3FB2] =	sst s10  }
0x35: {  	s10 =	sld [smem:$0x3FB1];
	_ =	sdelay $0x3  }
0x36: {  	p1 =	seq.s32 s10, $0x1;
	s10 =	sld [smem:$0x3FB2];
	_ =	sdelay $0x3  }
0x37: {  	[smem:$0x3FB2] =	sst s10  }
0x38: {  	s10 =	sld [smem:$0x3FB3]  }
0x39: {  	_ = 	snop;
	(pc) =	sbr.ind lr, $3  }
0x3a: {  	_ = 	snop  }
0x3b: {  	_ = 	snop  }
0x3c: {  	p2 =	seq.s32 s10, $0x1;
	s10 =	sld [smem:$0x3FB2]  }
0x3d: {  	_ =	shalt  }
0x3e: {  	_ =	shalt  }
0x3f: {  	_ =	shalt  }
0x40: {  	_ =	shalt  }
0x41: {  	_ =	shalt  }
0x42: {  	_ =	shalt  }
0x43: {  	_ =	shalt  }
0x44: {  	_ =	shalt  }
0x45: {  	_ =	shalt  }
0x46: {  	_ =	shalt  }
0x47: {  	_ =	shalt  }
0x48: {  	_ =	shalt  }
0x49: {  	_ =	shalt  }
0x4a: {  	_ =	shalt  }
0x4b: {  	_ =	shalt  }
0x4c: {  	_ =	shalt  }
0x4d: {  	_ =	shalt  }
0x4e: {  	_ =	shalt  }
0x4f: {  	_ =	shalt  }
0x50: {  	_ =	shalt  }
0x51: {  	_ =	shalt  }
0x52: {  	_ =	shalt  }
0x53: {  	_ =	shalt  }
0x54: {  	_ =	shalt  }
0x55: {  	_ =	shalt  }
0x56: {  	_ =	shalt  }
0x57: {  	_ =	shalt  }
0x58: {  	_ =	shalt  }
0x59: {  	_ =	shalt  }
0x5a: {  	_ =	shalt  }
0x5b: {  	_ =	shalt  }
0x5c: {  	_ =	shalt  }
0x5d: {  	_ =	shalt  }
0x5e: {  	_ =	shalt  }
0x5f: {  	_ =	shalt  }
0x60: {  	_ =	shalt  }
0x61: {  	_ =	shalt  }
0x62: {  	_ =	shalt  }
0x63: {  	_ =	shalt  }
0x64: {  	_ =	shalt  }
0x65: {  	_ =	shalt  }
0x66: {  	_ =	shalt  }
0x67: {  	_ =	shalt  }
0x68: {  	_ =	shalt  }
0x69: {  	_ =	shalt  }
0x6a: {  	_ =	shalt  }
0x6b: {  	_ =	shalt  }
0x6c: {  	_ =	shalt  }
0x6d: {  	_ =	shalt  }
0x6e: {  	_ =	shalt  }
0x6f: {  	_ =	shalt  }
0x70: {  	_ =	shalt  }
0x71: {  	_ =	shalt  }
0x72: {  	_ =	shalt  }
0x73: {  	_ =	shalt  }
0x74: {  	_ =	shalt  }
0x75: {  	_ =	shalt  }
0x76: {  	_ =	shalt  }
0x77: {  	_ =	shalt  }
0x78: {  	_ =	shalt  }
0x79: {  	_ =	shalt  }
0x7a: {  	_ =	shalt  }
0x7b: {  	_ =	shalt  }
0x7c: {  	_ =	shalt  }
0x7d: {  	_ =	shalt  }
0x7e: {  	_ =	shalt  }
0x7f: {  	_ =	shalt  }
0x80: {  	_ =	shalt  }
0x81: {  	_ =	shalt  }
0x82: {  	_ =	shalt  }
0x83: {  	_ =	shalt  }
0x84: {  	_ =	shalt  }
0x85: {  	_ =	shalt  }
0x86: {  	_ =	shalt  }
0x87: {  	_ =	shalt  }
.Lfunc_end0:
.L_simem_size_0:
called_computation.1_lowered:
.L_overlay_start_0:
0x88: {  	s2 =	sld [smem:$0x3FD9]  }
0x89: {  	s3 =	sld [smem:$0x3FFE];
	_ =	sdelay $0x1  }
0x8a: {  	s1 =	srdreg.scid  }
0x8b: {  	s0 =	sand.u32 $0x1, s1  }
0x8c: {  	s17 =	sshll.u32 s0, $0xA;
	s2 =	sadd.s32 s3, s2  }
0x8d: {  	s2 =	sadd.s32 s2, s17  }
0x8e: {  	[smem:$0x3FBE] =	sst s2  }
0x8f: {  	_ = 	snop  }
0x90: {  	s2 =	sld [smem:$0x3FD0];
	(tm) =	ssettm $0x1  }
0x91: {  	s18 =	sld [smem:$0x3FFB];
	_ =	sdelay $0x3  }
0x92: {  	_ =	strace s18  }
0x93: {  	s3 =	sld [smem:$0x3FFC];
	_ =	sdelay $0x3  }
0x94: {  	_ =	strace s3  }
0x95: {  	s3 =	sld [smem:$0x3FFD];
	_ =	sdelay $0x3  }
0x96: {  	_ =	strace s3  }
0x97: {  	_ =	strace $0x8FFFFFFF  }
0x98: {  	s19 =	sld [smem:$0x3FDB];
	_ =	sdelay $0x1  }
0x99: {  	s4 =	simm.s32 $_scs_section_size  }
0x9a: {  	s5 =	simm.s32 $_size__tile_overlayer_lowered;
	s6 =	simm.s32 $_tile_overlayer_lowered  }
0x9b: {  	s22 =	simm.s32 $0x1BFF;
	s21 =	sshll.u32 s6, $0x1;
	s3 =	sadd.s32 s4, s19  }
0x9c: {  	s7 =	simm.s32 $0x0;
	s20 =	sshll.u32 s5, $0x1;
	s5 =	sadd.s32 s21, s3  }
0x9d: {  	[timem:s7], [sflag:s22] =	dma.local [hbm:s5], s20  }
0x9e: {  	_ =	swait.ge [sflag:s22], s20  }
0x9f: {  	s4 =	ssub.s32 $0x0, s20;
	[sflag:s22] =	ssyncset.done $0x0  }
0xa0: {  	[sflag:s22] =	ssyncadd.s32 s4;
	_ =	sdelay $0x1  }
0xa1: {  	s23 =	simm.s32 $0x1B8B  }
0xa2: {  	_ =	swait.ge [sflag:s23], $0x1  }
0xa3: {  	[sflag:s23] =	ssyncset.done $0x0  }
0xa4: {  	s25 =	simm.s32 $0x1B8E;
	s24 =	sld [smem:$0x3FFE];
	[sflag:s23] =	ssyncadd.s32 $0xFFFFFFFF  }
0xa5: {  	s26 =	simm.s32 $execute0_lowered;
	[smem:$0x3FD2] =	sst s25  }
0xa6: {  	s5 =	sshll.u32 s26, $0x1;
	_ =	strace $0x80000049;
	[dreg:$0x1] =	wrdreg $0xFFFFFFFF  }
0xa7: {  	s28 =	simm.s32 $_size_execute0_lowered;
	s3 =	sadd.s32 s3, s5;
	[dreg:$0x0] =	wrdreg $0x0  }
0xa8: {  	s5 =	sshll.u32 s28, $0x1;
	[dreg:$0x2] =	wrdreg s3  }
0xa9: {  	[dreg:$0x3] =	wrdreg s5  }
0xaa: {  	[dreg:$0x4] =	wrdreg $0xC0  }
0xab: {  	_ =	task [dreg:s7], $0x5FFFF  }
0xac: {  	[dreg:$0x1] =	wrdreg $0xFFFFFFFF  }
0xad: {  	[dreg:$0x0] =	wrdreg $0x60  }
0xae: {  	[dreg:$0x2] =	wrdreg s24  }
0xaf: {  	[dreg:$0x3] =	wrdreg s2  }
0xb0: {  	[dreg:$0x4] =	wrdreg $0x82000  }
0xb1: {  	[dreg:$0x5] =	wrdreg $0x9  }
0xb2: {  	_ =	task.clear_ibuf [dreg:s7], $0x6FFFF;
	_ =	strace $0x90000049  }
0xb3: {  	s29 =	simm.s32 $0x9;
	_ =	strace $0x8000004B  }
0xb4: {  	_ =	swait.ge [sflag:s29], $0x1  }
0xb5: {  	[sflag:s29] =	ssyncadd.s32 $0xFFFFFFFF  }
0xb6: {  	_ =	strace $0x9000004B  }
0xb7: {  	_ =	sfence  }
0xb8: {  	s30 =	sld [smem:$0x0];
	_ =	sdelay $0x2  }
0xb9: {  	s31 =	sshll.u32 s1, $0xD;
	s1 =	sshrl.u32 s1, $0x2  }
0xba: {  	s3 =	sand.u32 $0x4000, s31;
	s1 =	sadd.s32 s1, s30  }
0xbb: {  	s0 =	sor.u32 s3, s0;
	s1 =	sshll.u32 s1, $0x11  }
0xbc: {  	s0 =	sor.u32 s1, s0  }
0xbd: {  	s0 =	sadd.s32 $0x8F2B, s0  }
0xbe: {  	[sflag:s0] =	ssyncadd.remote.s32 $0x1  }
0xbf: {  	_ =	sfence.sel $0xFFFF  }
0xc0: {  	[dreg:$0x0] =	wrdreg $0xFFFFFFFF;
	(pc) =	sbr.abs _section_cstart, $3  }
0xc1: {  	[dreg:$0x1] =	wrdreg $0xFFFFFFFF  }
0xc2: {  	_ =	task.clear_ibuf [dreg:s7], $0x2FFFF;
	_ =	strace $0x9FFFFFFF  }
0xc3: {  	(tm) =	ssettm $0x7FFFFFFF  }
tec
execute0_lowered:
.L_overlay_start_1:
0x0: {  	(tag) =	ssettag $0x1  }
0x1: {  	s5 =	rddreg [dreg:$0x0]  }
0x2: {  	s11 =	rddreg [dreg:$0x1]  }
0x3: {  	s2 =	rddreg [dreg:$0x2]  }
0x4: {  	s0 =	rddreg [dreg:$0x3]  }
0x5: {  	s1 =	stileid.u32;
	s4 =	srdreg.scid;
	s3 =	simm.s32 $0x0  }
0x6: {  	s16 =	simm.s32 $0x180;
	s17 =	simm.s32 $0x1;
	s18 =	simm.s32 $0x200  }
0x7: {  	s19 =	simm.s32 $0x4200;
	s20 =	simm.s32 $0x2;
	s22 =	smul.u32 $0x2780, s1  }
0x8: {  	s21 =	simm.s32 $0x3;
	s6 =	sand.u32 $0x1, s4;
	s8 =	smul.u32 $0x4F000, s1  }
0x9: {  	[smem:$0x7FF] =	sst s3;
	s4 =	sadd.s32 $0x34200, s5;
	s13 =	smul.u32 $0x2800, s1  }
0xa: {  	s10 =	sadd.s32 $0x2A00, s5;
	s29 =	sshll.u32 s1, $0x6;
	s7 =	smul.u32 $0x27800, s6  }
0xb: {  	_ =	strace $0x8000004A;
	s9 =	smul.u32 $0x28000, s6;
	s6 =	ssub.s32 $0x2, s6  }
0xc: {  	s12 =	sadd.s32 s22, s5;
	s28 =	sshrl.u32 s6, $0x1;
	s8 =	sshrl.u32 s8, $0x2  }
0xd: {  	s7 =	sadd.s32 s7, s5;
	s14 =	ssub.s32 s6, s28;
	s15 =	sadd.s32 s8, s2  }
0xe: {  	s9 =	sadd.s32 s13, s9;
	s5 =	sadd.s32 $0xCA00, s12;
	s6 =	sor.u32 $0x1C04, s29  }
0xf: {  	s30 =	sor.u32 $0x80, s9;
	s23 =	sadd.s32 $0x8D000, s7;
	s7 =	smax.u32 s14, $0x1  }
0x10: {  	s13 =	sshrl.u32 s9, $0x3;
	s12 =	sshrl.u32 s15, $0x3;
	s14 =	simm.s32 $0x80  }
0x11: {  	s15 =	simm.s32 $0x100;
	s31 =	sshrl.u32 s30, $0x3;
	s22 =	sadd.s32 s22, s23  }
0x12: {  	s23 =	simm.s32 $0x0;
	s8 =	sadd.s32 s31, s10;
	s9 =	sadd.s32 s31, s11  }
0x13: {  	s10 =	sadd.s32 s13, s10;
	s11 =	sadd.s32 s13, s11;
	s13 =	simm.s32 $0x4  }
.LBB2_1:
0x14: {  	[spmem:s12], [sflag:s6] =	dma.local [hbm:s5], $0x2780  }
0x15: {  	_ =	swait.ge [sflag:s13], $0x2780  }
0x16: {  	[sflag:s13] =	ssyncset.done $0x0  }
0x17: {  	[sflag:s13] =	ssyncadd.s32 $0xFFFFD880  }
0x18: {  	s24 =	sadd.s32 $0x0, s11;
	[bflag:$0x0] =	sbarrier.arrive $0xFFFF  }
0x19: {  	[tilespmem:s3], [sflag:$0x1] =	stream.linear.gather [hbm4b:s24+s3], $0x80, $0x38;
	[tilespmem:$0x1BE00] =	vst v63  }
0x1a: {  	s29 =	sadd.s32 $0x0, s10  }
0x1b: {  	[tilespmem:s14], [sflag:$0x1] =	stream.linear.gather [hbm4b:s29+s3], $0x80, $0x38;
	[tilespmem:$0x1BE00] =	vst v63  }
0x1c: {  	s30 =	sadd.s32 $0x0, s9  }
0x1d: {  	[tilespmem:s15], [sflag:$0x1] =	stream.linear.gather [hbm4b:s30+s3], $0x80, $0x38;
	[tilespmem:$0x1BE00] =	vst v63  }
0x1e: {  	s31 =	sadd.s32 $0x0, s8  }
0x1f: {  	[tilespmem:s16], [sflag:$0x1] =	stream.linear.gather [hbm4b:s31+s3], $0x80, $0x38;
	[tilespmem:$0x1BE00] =	vst v63  }
0x20: {  	_ =	swait.ge [sflag:s17], $0x80  }
0x21: {  	[sflag:s17] =	ssyncset.done $0x0  }
0x22: {  	[sflag:s17] =	ssyncadd.s32 $0xFFFFFF80  }
0x23: {  	_ =	swait.ge [sflag:s17], $0x80  }
0x24: {  	[sflag:s17] =	ssyncset.done $0x0  }
0x25: {  	[sflag:s17] =	ssyncadd.s32 $0xFFFFFF80  }
0x26: {  	_ =	swait.ge [sflag:s17], $0x80  }
0x27: {  	[sflag:s17] =	ssyncset.done $0x0  }
0x28: {  	[sflag:s17] =	ssyncadd.s32 $0xFFFFFF80  }
0x29: {  	_ =	swait.ge [sflag:s17], $0x80  }
0x2a: {  	[sflag:s17] =	ssyncset.done $0x0  }
0x2b: {  	[sflag:s17] =	ssyncadd.s32 $0xFFFFFF80  }
0x2c: {  	[tilespmem:s18], [sflag:$0x2] =	stream.indirect.gather [hbm4b:s4+s14], $0x80, s3, s14, $0xb8;
	[tilespmem:$0x1BE00] =	vst v63  }
0x2d: {  	_ = 	snop  }
0x2e: {  	[tilespmem:s19], [sflag:$0x2] =	stream.indirect.gather [hbm4b:s4+s14], $0x80, s15, s14, $0xb8;
	[tilespmem:$0x1BE00] =	vst v63  }
0x2f: {  	_ =	swait.ge [sflag:s20], $0x4000  }
0x30: {  	[sflag:s20] =	ssyncset.done $0x0  }
0x31: {  	[sflag:s20] =	ssyncadd.s32 $0xFFFFC000  }
0x32: {  	[spmem:s2] =	stream.indirect.scatter.add.f32 [tilespmem:s18], [sflag:$0x3], $0x80, s14, s14, $0xb8;
	[tilespmem:$0x1BE00] =	vst v63  }
0x33: {  	_ =	swait.ge [sflag:s20], $0x4000  }
0x34: {  	[sflag:s20] =	ssyncset.done $0x0  }
0x35: {  	[sflag:s20] =	ssyncadd.s32 $0xFFFFC000  }
0x36: {  	[spmem:s2] =	stream.indirect.scatter.add.f32 [tilespmem:s19], [sflag:$0x3], $0x80, s16, s14, $0xb8;
	[tilespmem:$0x1BE00] =	vst v63  }
0x37: {  	_ =	swait.ge [sflag:s21], $0x4000  }
0x38: {  	[sflag:s21] =	ssyncset.done $0x0  }
0x39: {  	[sflag:s21] =	ssyncadd.s32 $0xFFFFC000  }
0x3a: {  	_ =	swait.ge [sflag:s21], $0x4000  }
0x3b: {  	s26 =	simm.s32 $0x40;
	s24 =	simm.s32 $0x20;
	[sflag:s21] =	ssyncset.done $0x0  }
.LBB2_2:
0x3c: {  	s28 =	sadd.s32 s24, s11  }
0x3d: {  	[sflag:s21] =	ssyncadd.s32 $0xFFFFC000;
	s29 =	smov.u32 s26;
	s25 =	sadd.s32 $0x20, s26  }
0x3e: {  	[tilespmem:s3], [sflag:$0x1] =	stream.linear.gather [hbm4b:s28+s3], $0x80, $0x38;
	[tilespmem:$0x1BE00] =	vst v63  }
0x3f: {  	p0 =	sne.s32 s26, $0x4E0;
	s26 =	sadd.s32 s24, s10  }
0x40: {  	[tilespmem:s14], [sflag:$0x1] =	stream.linear.gather [hbm4b:s26+s3], $0x80, $0x38;
	[tilespmem:$0x1BE00] =	vst v63  }
0x41: {  	s26 =	sadd.s32 s24, s9  }
0x42: {  	[tilespmem:s15], [sflag:$0x1] =	stream.linear.gather [hbm4b:s26+s3], $0x80, $0x38;
	[tilespmem:$0x1BE00] =	vst v63  }
0x43: {  	s26 =	sadd.s32 s24, s8;
	s24 =	smov.u32 s29  }
0x44: {  	[tilespmem:s16], [sflag:$0x1] =	stream.linear.gather [hbm4b:s26+s3], $0x80, $0x38;
	[tilespmem:$0x1BE00] =	vst v63  }
0x45: {  	_ =	swait.ge [sflag:s17], $0x80  }
0x46: {  	[sflag:s17] =	ssyncset.done $0x0  }
0x47: {  	[sflag:s17] =	ssyncadd.s32 $0xFFFFFF80  }
0x48: {  	_ =	swait.ge [sflag:s17], $0x80  }
0x49: {  	[sflag:s17] =	ssyncset.done $0x0  }
0x4a: {  	[sflag:s17] =	ssyncadd.s32 $0xFFFFFF80  }
0x4b: {  	_ =	swait.ge [sflag:s17], $0x80  }
0x4c: {  	[sflag:s17] =	ssyncset.done $0x0  }
0x4d: {  	[sflag:s17] =	ssyncadd.s32 $0xFFFFFF80  }
0x4e: {  	_ =	swait.ge [sflag:s17], $0x80  }
0x4f: {  	[sflag:s17] =	ssyncset.done $0x0  }
0x50: {  	[sflag:s17] =	ssyncadd.s32 $0xFFFFFF80  }
0x51: {  	[tilespmem:s18], [sflag:$0x2] =	stream.indirect.gather [hbm4b:s4+s14], $0x80, s3, s14, $0xb8;
	[tilespmem:$0x1BE00] =	vst v63  }
0x52: {  	_ = 	snop  }
0x53: {  	[tilespmem:s19], [sflag:$0x2] =	stream.indirect.gather [hbm4b:s4+s14], $0x80, s15, s14, $0xb8;
	[tilespmem:$0x1BE00] =	vst v63  }
0x54: {  	_ =	swait.ge [sflag:s20], $0x4000  }
0x55: {  	[sflag:s20] =	ssyncset.done $0x0  }
0x56: {  	[sflag:s20] =	ssyncadd.s32 $0xFFFFC000  }
0x57: {  	[spmem:s2] =	stream.indirect.scatter.add.f32 [tilespmem:s18], [sflag:$0x3], $0x80, s14, s14, $0xb8;
	[tilespmem:$0x1BE00] =	vst v63  }
0x58: {  	_ =	swait.ge [sflag:s20], $0x4000  }
0x59: {  	[sflag:s20] =	ssyncset.done $0x0  }
0x5a: {  	[sflag:s20] =	ssyncadd.s32 $0xFFFFC000  }
0x5b: {  	[spmem:s2] =	stream.indirect.scatter.add.f32 [tilespmem:s19], [sflag:$0x3], $0x80, s16, s14, $0xb8;
	[tilespmem:$0x1BE00] =	vst v63  }
.Ltmp0:
0x5c: {  	_ =	swait.ge [sflag:s21], $0x4000;
	(pc) =	sbr.rel @p0 .LBB2_2-.Ltmp0, $4  }
0x5d: {  	[sflag:s21] =	ssyncset.done $0x0  }
0x5e: {  	[sflag:s21] =	ssyncadd.s32 $0xFFFFC000  }
0x5f: {  	_ =	swait.ge [sflag:s21], $0x4000  }
0x60: {  	s26 =	smov.u32 s25;
	[sflag:s21] =	ssyncset.done $0x0  }
0x61: {  	s25 =	sadd.s32 s24, s11;
	[sflag:s21] =	ssyncadd.s32 $0xFFFFC000  }
0x62: {  	[tilespmem:s3], [sflag:$0x1] =	stream.linear.gather [hbm4b:s25+s3], $0x80, $0x38;
	[tilespmem:$0x1BE00] =	vst v63  }
0x63: {  	s29 =	sadd.s32 s24, s10  }
0x64: {  	[tilespmem:s14], [sflag:$0x1] =	stream.linear.gather [hbm4b:s29+s3], $0x80, $0x38;
	[tilespmem:$0x1BE00] =	vst v63  }
0x65: {  	s30 =	sadd.s32 s24, s9  }
0x66: {  	[tilespmem:s15], [sflag:$0x1] =	stream.linear.gather [hbm4b:s30+s3], $0x80, $0x38;
	[tilespmem:$0x1BE00] =	vst v63  }
0x67: {  	s31 =	sadd.s32 s24, s8  }
0x68: {  	[tilespmem:s16], [sflag:$0x1] =	stream.linear.gather [hbm4b:s31+s3], $0x80, $0x38;
	[tilespmem:$0x1BE00] =	vst v63  }
0x69: {  	_ =	swait.ge [sflag:s17], $0x80  }
0x6a: {  	[sflag:s17] =	ssyncset.done $0x0  }
0x6b: {  	[sflag:s17] =	ssyncadd.s32 $0xFFFFFF80  }
0x6c: {  	_ =	swait.ge [sflag:s17], $0x80  }
0x6d: {  	[sflag:s17] =	ssyncset.done $0x0  }
0x6e: {  	[sflag:s17] =	ssyncadd.s32 $0xFFFFFF80  }
0x6f: {  	_ =	swait.ge [sflag:s17], $0x80  }
0x70: {  	[sflag:s17] =	ssyncset.done $0x0  }
0x71: {  	[sflag:s17] =	ssyncadd.s32 $0xFFFFFF80  }
0x72: {  	_ =	swait.ge [sflag:s17], $0x80  }
0x73: {  	[sflag:s17] =	ssyncset.done $0x0  }
0x74: {  	[sflag:s17] =	ssyncadd.s32 $0xFFFFFF80  }
0x75: {  	[tilespmem:s18], [sflag:$0x2] =	stream.indirect.gather [hbm4b:s4+s14], $0x80, s3, s14, $0xb8;
	[tilespmem:$0x1BE00] =	vst v63  }
0x76: {  	_ = 	snop  }
0x77: {  	[tilespmem:s19], [sflag:$0x2] =	stream.indirect.gather [hbm4b:s4+s14], $0x80, s15, s14, $0xb8;
	[tilespmem:$0x1BE00] =	vst v63  }
0x78: {  	_ =	swait.ge [sflag:s20], $0x4000  }
0x79: {  	[sflag:s20] =	ssyncset.done $0x0  }
0x7a: {  	[sflag:s20] =	ssyncadd.s32 $0xFFFFC000  }
0x7b: {  	[spmem:s2] =	stream.indirect.scatter.add.f32 [tilespmem:s18], [sflag:$0x3], $0x80, s14, s14, $0xb8;
	[tilespmem:$0x1BE00] =	vst v63  }
0x7c: {  	_ =	swait.ge [sflag:s20], $0x4000  }
0x7d: {  	[sflag:s20] =	ssyncset.done $0x0  }
0x7e: {  	[sflag:s20] =	ssyncadd.s32 $0xFFFFC000  }
0x7f: {  	[spmem:s2] =	stream.indirect.scatter.add.f32 [tilespmem:s19], [sflag:$0x3], $0x80, s16, s14, $0xb8;
	[tilespmem:$0x1BE00] =	vst v63  }
0x80: {  	_ =	swait.ge [sflag:s21], $0x4000  }
0x81: {  	[sflag:s21] =	ssyncset.done $0x0  }
0x82: {  	[sflag:s21] =	ssyncadd.s32 $0xFFFFC000  }
0x83: {  	_ =	swait.ge [sflag:s21], $0x4000  }
0x84: {  	s23 =	sadd.s32 $0x1, s23;
	[sflag:s21] =	ssyncset.done $0x0  }
0x85: {  	p0 =	sne.s32 s23, s7;
	[sflag:s21] =	ssyncadd.s32 $0xFFFFC000  }
.Ltmp1:
0x86: {  	[bflag:$0x0] =	sbarrier.arrive $0xFFFF;
	(pc) =	sbr.rel @p0 .LBB2_1-.Ltmp1, $4  }
0x87: {  	[hbm:s22], [sflag:s6] =	dma.local [spmem:s12], $0x2780  }
0x88: {  	_ =	swait.ge [sflag:s13], $0x2780  }
0x89: {  	[sflag:s13] =	ssyncset.done $0x0  }
0x8a: {  	[sflag:s13] =	ssyncadd.s32 $0xFFFFD880  }
0x8b: {  	_ =	sfence.sel $0x180000  }
0x8c: {  	[bflag:$0x0] =	sbarrier.arrive $0xFFFF  }
0x8d: {  	p0 =	sne.s32 s1, $0x0;
	_ =	strace $0x9000004A  }
0x8e: {  	s0 =	sadd.s32 @!p0 $0x100000, s0;
	[bflag:$0x2] =	sbarrier.arrive $0xFFFF  }
0x8f: {  	[sflag:s0] =	ssyncadd.tile.s32 @!p0 $0x1;
	_ =	shalt  }
.Lfunc_end2:
_tile_overlayer_lowered:
.L_overlay_start_2:
0x90: {  	(tag) =	ssettag $0x2  }
0x91: {  	s0 =	rddreg [dreg:$0x0];
	s2 =	stileid.u32  }
0x92: {  	s1 =	rddreg [dreg:$0x1];
	p0 =	sne.s32 s2, $0x0  }
0x93: {  	s3 =	rddreg [dreg:$0x2];
	[bflag:$0x3] =	sbarrier.arrive $0xFFFF;
	s2 =	simm.s32 @!p0 $0x1C04  }
0x94: {  	[timem:s3], [sflag:s2] =	dma.local @!p0 [hbm:s0], s1  }
0x95: {  	s0 =	simm.s32 @!p0 $0x4  }
0x96: {  	_ =	swait.ge @!p0 [sflag:s0], s1  }
0x97: {  	s1 =	ssub.s32 @!p0 $0x0, s1;
	[sflag:s0] =	ssyncset.done @!p0 $0x0  }
0x98: {  	[sflag:s0] =	ssyncadd.s32 @!p0 s1  }
0x99: {  	[bflag:$0x3] =	sbarrier.arrive $0xFFFF  }
0x9a: {  	_ =	shalt  }

</sc_bundles>
